<compile_context>
chip_gen: v7x
topology: tpu7x:2x2x1
jax: 0.10.2.dev20260603
libtpu: 0.0.44.dev20260713+nightly
codegen_flags: <defaults>
</compile_context>

<pallas_src>
import functools

import jax
import jax.numpy as jnp
from jax import lax
from jax.experimental import pallas as pl
from jax.experimental.pallas import tpu as pltpu
from jax.experimental.pallas import tpu_sc as plsc

MAX_LEN = 8192
HALF = MAX_LEN // 2
D_MODEL = 768
BATCH = 4
NUM_CORES = 2
NUM_SUBCORES = 16
NW = NUM_CORES * NUM_SUBCORES
ROWS_PER_W = HALF // NW
CHUNK = ROWS_PER_W // 2

_mesh = plsc.VectorSubcoreMesh(core_axis_name="c", subcore_axis_name="s")


@functools.partial(
    pl.kernel,
    mesh=_mesh,
    out_type=jax.ShapeDtypeStruct((BATCH * MAX_LEN, D_MODEL), jnp.float32),
    scratch_types=[
        pltpu.VMEM((CHUNK, D_MODEL), jnp.float32),
        pltpu.VMEM((CHUNK, D_MODEL), jnp.float32),
        pltpu.VMEM((CHUNK,), jnp.int32),
        pltpu.VMEM((CHUNK,), jnp.int32),
        pltpu.VMEM((CHUNK,), jnp.int32),
        pltpu.VMEM((CHUNK,), jnp.int32),
        pltpu.VMEM((CHUNK,), jnp.int32),
        pltpu.VMEM((CHUNK,), jnp.int32),
        pltpu.VMEM((CHUNK,), jnp.int32),
        pltpu.VMEM((CHUNK,), jnp.int32),
        pltpu.VMEM((16, D_MODEL), jnp.float32),
        pltpu.VMEM((16,), jnp.int32),
        pltpu.VMEM((16,), jnp.int32),
        pltpu.SemaphoreType.DMA,
        pltpu.SemaphoreType.DMA,
        pltpu.SemaphoreType.DMA,
    ],
)
def _rel_pos_emb(table_hbm, out_hbm, rows_a, rows_b,
                 ia0, ia1, ia2, ia3, ib0, ib1, ib2, ib3,
                 spec_v, gidx, oidx, sem, psem, rsem):
    wid = lax.axis_index("s") * NUM_CORES + lax.axis_index("c")
    rbase = wid * ROWS_PER_W

    rows = [rows_a, rows_b]
    ridx = [[ia0, ia1, ia2, ia3], [ib0, ib1, ib2, ib3]]

    def read_desc(c):
        return pltpu.make_async_copy(
            table_hbm.at[pl.ds(rbase + c * CHUNK, CHUNK)], rows[c], rsem)

    read_desc(0).start()
    read_desc(1).start()

    for c in range(2):
        for b in range(BATCH):
            for t in range(CHUNK // 16):
                head = b * MAX_LEN + HALF - rbase - c * CHUNK - t * 16
                ridx[c][b][pl.ds(t * 16, 16)] = head - lax.iota(jnp.int32, 16)

    copies = []
    for c in range(2):
        read_desc(c).wait()
        for b in range(BATCH):
            copies.append(pltpu.async_copy(rows[c], out_hbm.at[ridx[c][b]],
                                           sem))
            copies.append(pltpu.async_copy(
                rows[c],
                out_hbm.at[pl.ds(b * MAX_LEN + HALF + rbase + c * CHUNK,
                                 CHUNK)],
                sem))

    @pl.when(wid < BATCH)
    def _patch():
        gidx[...] = HALF - lax.iota(jnp.int32, 16)
        oidx[...] = wid * MAX_LEN + lax.iota(jnp.int32, 16)
        pltpu.async_copy(table_hbm.at[gidx], spec_v, psem).wait()
        pltpu.async_copy(spec_v, out_hbm.at[oidx], psem).wait()

    for c in copies:
        c.wait()


def kernel(x, table):
    del x
    out = _rel_pos_emb(table)
    return out.reshape(BATCH, MAX_LEN, D_MODEL)

# --- scband reference (transcript-rebuilt; emitter-appended) ---
"""Pipeline reference for scband-relative-positional-embedding-16011638080017 (READ-ONLY COPY).

The authoritative reference and input builder live on the scoring server;
editing this copy changes nothing except your own understanding.
"""

import jax, jax.numpy as jnp
import numpy as np

MAX_LEN = 8192
D_MODEL = 768
BATCH = 4


def setup_inputs(seed: int = 0) -> dict:
    key = jax.random.key(seed)
    k1, k2 = jax.random.split(key)
    x = jax.random.normal(k1, (BATCH, MAX_LEN, D_MODEL), dtype=jnp.float32)
    # Embedding table (learned param), keras Embedding default init is uniform(-0.05, 0.05)
    table = jax.random.uniform(k2, (MAX_LEN, D_MODEL), minval=-0.05, maxval=0.05, dtype=jnp.float32)
    return {"x": x, "table": table}


def reference(x, table):
    batch = x.shape[0]
    # relative position indices: abs(i - max_len//2) for i in range(max_len)
    rel_idx = jnp.abs(jnp.arange(MAX_LEN, dtype=jnp.int32) - MAX_LEN // 2)
    rel_idx = jnp.tile(rel_idx[None, :], (batch, 1))  # [batch, max_len]
    # embedding lookup -> [batch, max_len, d_model]
    return jnp.take(table, rel_idx, axis=0)

if __name__ == "__main__":
    import jax
    _d = setup_inputs()
    print(jax.jit(kernel)(*tuple(_d.values())))

</pallas_src>

<mosaic_0001>
#map = affine_map<(d0, d1) -> (0, 0)>
module attributes {stable_mosaic.version = 14 : i64} {
  func.func @_rel_pos_emb(%arg0: i32, %arg1: i32, %arg2: memref<8192x768xf32, #tpu.memory_space<hbm>>, %arg3: memref<32768x768xf32, #tpu.memory_space<hbm>>, %arg4: memref<64x768xf32, #tpu.memory_space<vmem>>, %arg5: memref<64x768xf32, #tpu.memory_space<vmem>>, %arg6: memref<64xi32, #tpu.memory_space<vmem>>, %arg7: memref<64xi32, #tpu.memory_space<vmem>>, %arg8: memref<64xi32, #tpu.memory_space<vmem>>, %arg9: memref<64xi32, #tpu.memory_space<vmem>>, %arg10: memref<64xi32, #tpu.memory_space<vmem>>, %arg11: memref<64xi32, #tpu.memory_space<vmem>>, %arg12: memref<64xi32, #tpu.memory_space<vmem>>, %arg13: memref<64xi32, #tpu.memory_space<vmem>>, %arg14: memref<16x768xf32, #tpu.memory_space<vmem>>, %arg15: memref<16xi32, #tpu.memory_space<vmem>>, %arg16: memref<16xi32, #tpu.memory_space<vmem>>, %arg17: memref<!tpu.dma_semaphore, #tpu.memory_space<semaphore_mem>>, %arg18: memref<!tpu.dma_semaphore, #tpu.memory_space<semaphore_mem>>, %arg19: memref<!tpu.dma_semaphore, #tpu.memory_space<semaphore_mem>>) attributes {dimension_semantics = [#tpu.dimension_semantics<core_parallel>, #tpu.dimension_semantics<subcore_parallel>], iteration_bounds = array<i64: 2, 16>, scalar_prefetch = 0 : i64, scratch_operands = 16 : i64, tpu.core_type = #tpu.core_type<sc_vector_subcore>, window_params = [{transform_indices = #map}, {transform_indices = #map}]} {
    %mul3A = arith.constant 2 : i32
    %mul3A_0 = arith.muli %arg1, %mul3A : i32
    %add3A = arith.addi %mul3A_0, %arg0 : i32
    %mul3A_1 = arith.constant 128 : i32
    %mul3A_2 = arith.muli %add3A, %mul3A_1 : i32
    %add3A_3 = arith.constant 0 : i32
    %add3A_4 = arith.addi %mul3A_2, %add3A_3 : i32
    %dma_start3A = arith.constant 0 : i32
    %dma_start3A_5 = tpu.memref_slice %arg2[%add3A_4, %dma_start3A] : memref<8192x768xf32, #tpu.memory_space<hbm>> -> memref<64x768xf32, #tpu.memory_space<hbm>>
    %dma_start3A_6 = arith.constant 0 : i32
    %dma_start3A_7 = tpu.memref_slice %arg2[%add3A_4, %dma_start3A_6] : memref<8192x768xf32, #tpu.memory_space<hbm>> -> memref<64x768xf32, #tpu.memory_space<hbm>>
    tpu.enqueue_dma source(%dma_start3A_7 : memref<64x768xf32, #tpu.memory_space<hbm>>) target(%arg4 : memref<64x768xf32, #tpu.memory_space<vmem>>) target_semaphore(%arg19 : memref<!tpu.dma_semaphore, #tpu.memory_space<semaphore_mem>>)
    %add3A_8 = arith.constant 64 : i32
    %add3A_9 = arith.addi %mul3A_2, %add3A_8 : i32
    %dma_start3A_10 = arith.constant 0 : i32
    %dma_start3A_11 = tpu.memref_slice %arg2[%add3A_9, %dma_start3A_10] : memref<8192x768xf32, #tpu.memory_space<hbm>> -> memref<64x768xf32, #tpu.memory_space<hbm>>
    %dma_start3A_12 = arith.constant 0 : i32
    %dma_start3A_13 = tpu.memref_slice %arg2[%add3A_9, %dma_start3A_12] : memref<8192x768xf32, #tpu.memory_space<hbm>> -> memref<64x768xf32, #tpu.memory_space<hbm>>
    tpu.enqueue_dma source(%dma_start3A_13 : memref<64x768xf32, #tpu.memory_space<hbm>>) target(%arg5 : memref<64x768xf32, #tpu.memory_space<vmem>>) target_semaphore(%arg19 : memref<!tpu.dma_semaphore, #tpu.memory_space<semaphore_mem>>)
    %sub3A = arith.constant 4096 : i32
    %sub3A_14 = arith.subi %sub3A, %mul3A_2 : i32
    %sub3A_15 = arith.constant 0 : i32
    %sub3A_16 = arith.subi %sub3A_14, %sub3A_15 : i32
    %sub3A_17 = arith.constant 0 : i32
    %sub3A_18 = arith.subi %sub3A_16, %sub3A_17 : i32
    %iota3A = tpu.iota {dimensions = array<i32: 0>} : vector<16xi32>
    %sub3A_19 = vector.broadcast %sub3A_18 : i32 to vector<16xi32>
    %sub3A_20 = arith.subi %sub3A_19, %iota3A : vector<16xi32>
    %swap3A = arith.constant 0 : index
    %swap3A_21 = tpu.vector_load %arg6[%swap3A] {strides = array<i32>} : memref<64xi32, #tpu.memory_space<vmem>>, vector<16xi32>,
    %swap3A_22 = vector.shape_cast %swap3A_21 : vector<16xi32> to vector<16xi32>
    %swap3A_23 = vector.shape_cast %sub3A_20 : vector<16xi32> to vector<16xi32>
    tpu.vector_store %arg6[%swap3A], %swap3A_23 {strides = array<i32>} : memref<64xi32, #tpu.memory_space<vmem>>, vector<16xi32>,
    %sub3A_24 = arith.constant 4096 : i32
    %sub3A_25 = arith.subi %sub3A_24, %mul3A_2 : i32
    %sub3A_26 = arith.constant 0 : i32
    %sub3A_27 = arith.subi %sub3A_25, %sub3A_26 : i32
    %sub3A_28 = arith.constant 16 : i32
    %sub3A_29 = arith.subi %sub3A_27, %sub3A_28 : i32
    %iota3A_30 = tpu.iota {dimensions = array<i32: 0>} : vector<16xi32>
    %sub3A_31 = vector.broadcast %sub3A_29 : i32 to vector<16xi32>
    %sub3A_32 = arith.subi %sub3A_31, %iota3A_30 : vector<16xi32>
    %swap3A_33 = arith.constant 16 : index
    %swap3A_34 = tpu.vector_load %arg6[%swap3A_33] {strides = array<i32>} : memref<64xi32, #tpu.memory_space<vmem>>, vector<16xi32>,
    %swap3A_35 = vector.shape_cast %swap3A_34 : vector<16xi32> to vector<16xi32>
    %swap3A_36 = vector.shape_cast %sub3A_32 : vector<16xi32> to vector<16xi32>
    tpu.vector_store %arg6[%swap3A_33], %swap3A_36 {strides = array<i32>} : memref<64xi32, #tpu.memory_space<vmem>>, vector<16xi32>,
    %sub3A_37 = arith.constant 4096 : i32
    %sub3A_38 = arith.subi %sub3A_37, %mul3A_2 : i32
    %sub3A_39 = arith.constant 0 : i32
    %sub3A_40 = arith.subi %sub3A_38, %sub3A_39 : i32
    %sub3A_41 = arith.constant 32 : i32
    %sub3A_42 = arith.subi %sub3A_40, %sub3A_41 : i32
    %iota3A_43 = tpu.iota {dimensions = array<i32: 0>} : vector<16xi32>
    %sub3A_44 = vector.broadcast %sub3A_42 : i32 to vector<16xi32>
    %sub3A_45 = arith.subi %sub3A_44, %iota3A_43 : vector<16xi32>
    %swap3A_46 = arith.constant 32 : index
    %swap3A_47 = tpu.vector_load %arg6[%swap3A_46] {strides = array<i32>} : memref<64xi32, #tpu.memory_space<vmem>>, vector<16xi32>,
    %swap3A_48 = vector.shape_cast %swap3A_47 : vector<16xi32> to vector<16xi32>
    %swap3A_49 = vector.shape_cast %sub3A_45 : vector<16xi32> to vector<16xi32>
    tpu.vector_store %arg6[%swap3A_46], %swap3A_49 {strides = array<i32>} : memref<64xi32, #tpu.memory_space<vmem>>, vector<16xi32>,
    %sub3A_50 = arith.constant 4096 : i32
    %sub3A_51 = arith.subi %sub3A_50, %mul3A_2 : i32
    %sub3A_52 = arith.constant 0 : i32
    %sub3A_53 = arith.subi %sub3A_51, %sub3A_52 : i32
    %sub3A_54 = arith.constant 48 : i32
    %sub3A_55 = arith.subi %sub3A_53, %sub3A_54 : i32
    %iota3A_56 = tpu.iota {dimensions = array<i32: 0>} : vector<16xi32>
    %sub3A_57 = vector.broadcast %sub3A_55 : i32 to vector<16xi32>
    %sub3A_58 = arith.subi %sub3A_57, %iota3A_56 : vector<16xi32>
    %swap3A_59 = arith.constant 48 : index
    %swap3A_60 = tpu.vector_load %arg6[%swap3A_59] {strides = array<i32>} : memref<64xi32, #tpu.memory_space<vmem>>, vector<16xi32>,
    %swap3A_61 = vector.shape_cast %swap3A_60 : vector<16xi32> to vector<16xi32>
    %swap3A_62 = vector.shape_cast %sub3A_58 : vector<16xi32> to vector<16xi32>
    tpu.vector_store %arg6[%swap3A_59], %swap3A_62 {strides = array<i32>} : memref<64xi32, #tpu.memory_space<vmem>>, vector<16xi32>,
    %sub3A_63 = arith.constant 12288 : i32
    %sub3A_64 = arith.subi %sub3A_63, %mul3A_2 : i32
    %sub3A_65 = arith.constant 0 : i32
    %sub3A_66 = arith.subi %sub3A_64, %sub3A_65 : i32
    %sub3A_67 = arith.constant 0 : i32
    %sub3A_68 = arith.subi %sub3A_66, %sub3A_67 : i32
    %iota3A_69 = tpu.iota {dimensions = array<i32: 0>} : vector<16xi32>
    %sub3A_70 = vector.broadcast %sub3A_68 : i32 to vector<16xi32>
    %sub3A_71 = arith.subi %sub3A_70, %iota3A_69 : vector<16xi32>
    %swap3A_72 = arith.constant 0 : index
    %swap3A_73 = tpu.vector_load %arg7[%swap3A_72] {strides = array<i32>} : memref<64xi32, #tpu.memory_space<vmem>>, vector<16xi32>,
    %swap3A_74 = vector.shape_cast %swap3A_73 : vector<16xi32> to vector<16xi32>
    %swap3A_75 = vector.shape_cast %sub3A_71 : vector<16xi32> to vector<16xi32>
    tpu.vector_store %arg7[%swap3A_72], %swap3A_75 {strides = array<i32>} : memref<64xi32, #tpu.memory_space<vmem>>, vector<16xi32>,
    %sub3A_76 = arith.constant 12288 : i32
    %sub3A_77 = arith.subi %sub3A_76, %mul3A_2 : i32
    %sub3A_78 = arith.constant 0 : i32
    %sub3A_79 = arith.subi %sub3A_77, %sub3A_78 : i32
    %sub3A_80 = arith.constant 16 : i32
    %sub3A_81 = arith.subi %sub3A_79, %sub3A_80 : i32
    %iota3A_82 = tpu.iota {dimensions = array<i32: 0>} : vector<16xi32>
    %sub3A_83 = vector.broadcast %sub3A_81 : i32 to vector<16xi32>
    %sub3A_84 = arith.subi %sub3A_83, %iota3A_82 : vector<16xi32>
    %swap3A_85 = arith.constant 16 : index
    %swap3A_86 = tpu.vector_load %arg7[%swap3A_85] {strides = array<i32>} : memref<64xi32, #tpu.memory_space<vmem>>, vector<16xi32>,
    %swap3A_87 = vector.shape_cast %swap3A_86 : vector<16xi32> to vector<16xi32>
    %swap3A_88 = vector.shape_cast %sub3A_84 : vector<16xi32> to vector<16xi32>
    tpu.vector_store %arg7[%swap3A_85], %swap3A_88 {strides = array<i32>} : memref<64xi32, #tpu.memory_space<vmem>>, vector<16xi32>,
    %sub3A_89 = arith.constant 12288 : i32
    %sub3A_90 = arith.subi %sub3A_89, %mul3A_2 : i32
    %sub3A_91 = arith.constant 0 : i32
    %sub3A_92 = arith.subi %sub3A_90, %sub3A_91 : i32
    %sub3A_93 = arith.constant 32 : i32
    %sub3A_94 = arith.subi %sub3A_92, %sub3A_93 : i32
    %iota3A_95 = tpu.iota {dimensions = array<i32: 0>} : vector<16xi32>
    %sub3A_96 = vector.broadcast %sub3A_94 : i32 to vector<16xi32>
    %sub3A_97 = arith.subi %sub3A_96, %iota3A_95 : vector<16xi32>
    %swap3A_98 = arith.constant 32 : index
    %swap3A_99 = tpu.vector_load %arg7[%swap3A_98] {strides = array<i32>} : memref<64xi32, #tpu.memory_space<vmem>>, vector<16xi32>,
    %swap3A_100 = vector.shape_cast %swap3A_99 : vector<16xi32> to vector<16xi32>
    %swap3A_101 = vector.shape_cast %sub3A_97 : vector<16xi32> to vector<16xi32>
    tpu.vector_store %arg7[%swap3A_98], %swap3A_101 {strides = array<i32>} : memref<64xi32, #tpu.memory_space<vmem>>, vector<16xi32>,
    %sub3A_102 = arith.constant 12288 : i32
    %sub3A_103 = arith.subi %sub3A_102, %mul3A_2 : i32
    %sub3A_104 = arith.constant 0 : i32
    %sub3A_105 = arith.subi %sub3A_103, %sub3A_104 : i32
    %sub3A_106 = arith.constant 48 : i32
    %sub3A_107 = arith.subi %sub3A_105, %sub3A_106 : i32
    %iota3A_108 = tpu.iota {dimensions = array<i32: 0>} : vector<16xi32>
    %sub3A_109 = vector.broadcast %sub3A_107 : i32 to vector<16xi32>
    %sub3A_110 = arith.subi %sub3A_109, %iota3A_108 : vector<16xi32>
    %swap3A_111 = arith.constant 48 : index
    %swap3A_112 = tpu.vector_load %arg7[%swap3A_111] {strides = array<i32>} : memref<64xi32, #tpu.memory_space<vmem>>, vector<16xi32>,
    %swap3A_113 = vector.shape_cast %swap3A_112 : vector<16xi32> to vector<16xi32>
    %swap3A_114 = vector.shape_cast %sub3A_110 : vector<16xi32> to vector<16xi32>
    tpu.vector_store %arg7[%swap3A_111], %swap3A_114 {strides = array<i32>} : memref<64xi32, #tpu.memory_space<vmem>>, vector<16xi32>,
    %sub3A_115 = arith.constant 20480 : i32
    %sub3A_116 = arith.subi %sub3A_115, %mul3A_2 : i32
    %sub3A_117 = arith.constant 0 : i32
    %sub3A_118 = arith.subi %sub3A_116, %sub3A_117 : i32
    %sub3A_119 = arith.constant 0 : i32
    %sub3A_120 = arith.subi %sub3A_118, %sub3A_119 : i32
    %iota3A_121 = tpu.iota {dimensions = array<i32: 0>} : vector<16xi32>
    %sub3A_122 = vector.broadcast %sub3A_120 : i32 to vector<16xi32>
    %sub3A_123 = arith.subi %sub3A_122, %iota3A_121 : vector<16xi32>
    %swap3A_124 = arith.constant 0 : index
    %swap3A_125 = tpu.vector_load %arg8[%swap3A_124] {strides = array<i32>} : memref<64xi32, #tpu.memory_space<vmem>>, vector<16xi32>,
    %swap3A_126 = vector.shape_cast %swap3A_125 : vector<16xi32> to vector<16xi32>
    %swap3A_127 = vector.shape_cast %sub3A_123 : vector<16xi32> to vector<16xi32>
    tpu.vector_store %arg8[%swap3A_124], %swap3A_127 {strides = array<i32>} : memref<64xi32, #tpu.memory_space<vmem>>, vector<16xi32>,
    %sub3A_128 = arith.constant 20480 : i32
    %sub3A_129 = arith.subi %sub3A_128, %mul3A_2 : i32
    %sub3A_130 = arith.constant 0 : i32
    %sub3A_131 = arith.subi %sub3A_129, %sub3A_130 : i32
    %sub3A_132 = arith.constant 16 : i32
    %sub3A_133 = arith.subi %sub3A_131, %sub3A_132 : i32
    %iota3A_134 = tpu.iota {dimensions = array<i32: 0>} : vector<16xi32>
    %sub3A_135 = vector.broadcast %sub3A_133 : i32 to vector<16xi32>
    %sub3A_136 = arith.subi %sub3A_135, %iota3A_134 : vector<16xi32>
    %swap3A_137 = arith.constant 16 : index
    %swap3A_138 = tpu.vector_load %arg8[%swap3A_137] {strides = array<i32>} : memref<64xi32, #tpu.memory_space<vmem>>, vector<16xi32>,
    %swap3A_139 = vector.shape_cast %swap3A_138 : vector<16xi32> to vector<16xi32>
    %swap3A_140 = vector.shape_cast %sub3A_136 : vector<16xi32> to vector<16xi32>
    tpu.vector_store %arg8[%swap3A_137], %swap3A_140 {strides = array<i32>} : memref<64xi32, #tpu.memory_space<vmem>>, vector<16xi32>,
    %sub3A_141 = arith.constant 20480 : i32
    %sub3A_142 = arith.subi %sub3A_141, %mul3A_2 : i32
    %sub3A_143 = arith.constant 0 : i32
    %sub3A_144 = arith.subi %sub3A_142, %sub3A_143 : i32
    %sub3A_145 = arith.constant 32 : i32
    %sub3A_146 = arith.subi %sub3A_144, %sub3A_145 : i32
    %iota3A_147 = tpu.iota {dimensions = array<i32: 0>} : vector<16xi32>
    %sub3A_148 = vector.broadcast %sub3A_146 : i32 to vector<16xi32>
    %sub3A_149 = arith.subi %sub3A_148, %iota3A_147 : vector<16xi32>
    %swap3A_150 = arith.constant 32 : index
    %swap3A_151 = tpu.vector_load %arg8[%swap3A_150] {strides = array<i32>} : memref<64xi32, #tpu.memory_space<vmem>>, vector<16xi32>,
    %swap3A_152 = vector.shape_cast %swap3A_151 : vector<16xi32> to vector<16xi32>
    %swap3A_153 = vector.shape_cast %sub3A_149 : vector<16xi32> to vector<16xi32>
    tpu.vector_store %arg8[%swap3A_150], %swap3A_153 {strides = array<i32>} : memref<64xi32, #tpu.memory_space<vmem>>, vector<16xi32>,
    %sub3A_154 = arith.constant 20480 : i32
    %sub3A_155 = arith.subi %sub3A_154, %mul3A_2 : i32
    %sub3A_156 = arith.constant 0 : i32
    %sub3A_157 = arith.subi %sub3A_155, %sub3A_156 : i32
    %sub3A_158 = arith.constant 48 : i32
    %sub3A_159 = arith.subi %sub3A_157, %sub3A_158 : i32
    %iota3A_160 = tpu.iota {dimensions = array<i32: 0>} : vector<16xi32>
    %sub3A_161 = vector.broadcast %sub3A_159 : i32 to vector<16xi32>
    %sub3A_162 = arith.subi %sub3A_161, %iota3A_160 : vector<16xi32>
    %swap3A_163 = arith.constant 48 : index
    %swap3A_164 = tpu.vector_load %arg8[%swap3A_163] {strides = array<i32>} : memref<64xi32, #tpu.memory_space<vmem>>, vector<16xi32>,
    %swap3A_165 = vector.shape_cast %swap3A_164 : vector<16xi32> to vector<16xi32>
    %swap3A_166 = vector.shape_cast %sub3A_162 : vector<16xi32> to vector<16xi32>
    tpu.vector_store %arg8[%swap3A_163], %swap3A_166 {strides = array<i32>} : memref<64xi32, #tpu.memory_space<vmem>>, vector<16xi32>,
    %sub3A_167 = arith.constant 28672 : i32
    %sub3A_168 = arith.subi %sub3A_167, %mul3A_2 : i32
    %sub3A_169 = arith.constant 0 : i32
    %sub3A_170 = arith.subi %sub3A_168, %sub3A_169 : i32
    %sub3A_171 = arith.constant 0 : i32
    %sub3A_172 = arith.subi %sub3A_170, %sub3A_171 : i32
    %iota3A_173 = tpu.iota {dimensions = array<i32: 0>} : vector<16xi32>
    %sub3A_174 = vector.broadcast %sub3A_172 : i32 to vector<16xi32>
    %sub3A_175 = arith.subi %sub3A_174, %iota3A_173 : vector<16xi32>
    %swap3A_176 = arith.constant 0 : index
    %swap3A_177 = tpu.vector_load %arg9[%swap3A_176] {strides = array<i32>} : memref<64xi32, #tpu.memory_space<vmem>>, vector<16xi32>,
    %swap3A_178 = vector.shape_cast %swap3A_177 : vector<16xi32> to vector<16xi32>
    %swap3A_179 = vector.shape_cast %sub3A_175 : vector<16xi32> to vector<16xi32>
    tpu.vector_store %arg9[%swap3A_176], %swap3A_179 {strides = array<i32>} : memref<64xi32, #tpu.memory_space<vmem>>, vector<16xi32>,
    %sub3A_180 = arith.constant 28672 : i32
    %sub3A_181 = arith.subi %sub3A_180, %mul3A_2 : i32
    %sub3A_182 = arith.constant 0 : i32
    %sub3A_183 = arith.subi %sub3A_181, %sub3A_182 : i32
    %sub3A_184 = arith.constant 16 : i32
    %sub3A_185 = arith.subi %sub3A_183, %sub3A_184 : i32
    %iota3A_186 = tpu.iota {dimensions = array<i32: 0>} : vector<16xi32>
    %sub3A_187 = vector.broadcast %sub3A_185 : i32 to vector<16xi32>
    %sub3A_188 = arith.subi %sub3A_187, %iota3A_186 : vector<16xi32>
    %swap3A_189 = arith.constant 16 : index
    %swap3A_190 = tpu.vector_load %arg9[%swap3A_189] {strides = array<i32>} : memref<64xi32, #tpu.memory_space<vmem>>, vector<16xi32>,
    %swap3A_191 = vector.shape_cast %swap3A_190 : vector<16xi32> to vector<16xi32>
    %swap3A_192 = vector.shape_cast %sub3A_188 : vector<16xi32> to vector<16xi32>
    tpu.vector_store %arg9[%swap3A_189], %swap3A_192 {strides = array<i32>} : memref<64xi32, #tpu.memory_space<vmem>>, vector<16xi32>,
    %sub3A_193 = arith.constant 28672 : i32
    %sub3A_194 = arith.subi %sub3A_193, %mul3A_2 : i32
    %sub3A_195 = arith.constant 0 : i32
    %sub3A_196 = arith.subi %sub3A_194, %sub3A_195 : i32
    %sub3A_197 = arith.constant 32 : i32
    %sub3A_198 = arith.subi %sub3A_196, %sub3A_197 : i32
    %iota3A_199 = tpu.iota {dimensions = array<i32: 0>} : vector<16xi32>
    %sub3A_200 = vector.broadcast %sub3A_198 : i32 to vector<16xi32>
    %sub3A_201 = arith.subi %sub3A_200, %iota3A_199 : vector<16xi32>
    %swap3A_202 = arith.constant 32 : index
    %swap3A_203 = tpu.vector_load %arg9[%swap3A_202] {strides = array<i32>} : memref<64xi32, #tpu.memory_space<vmem>>, vector<16xi32>,
    %swap3A_204 = vector.shape_cast %swap3A_203 : vector<16xi32> to vector<16xi32>
    %swap3A_205 = vector.shape_cast %sub3A_201 : vector<16xi32> to vector<16xi32>
    tpu.vector_store %arg9[%swap3A_202], %swap3A_205 {strides = array<i32>} : memref<64xi32, #tpu.memory_space<vmem>>, vector<16xi32>,
    %sub3A_206 = arith.constant 28672 : i32
    %sub3A_207 = arith.subi %sub3A_206, %mul3A_2 : i32
    %sub3A_208 = arith.constant 0 : i32
    %sub3A_209 = arith.subi %sub3A_207, %sub3A_208 : i32
    %sub3A_210 = arith.constant 48 : i32
    %sub3A_211 = arith.subi %sub3A_209, %sub3A_210 : i32
    %iota3A_212 = tpu.iota {dimensions = array<i32: 0>} : vector<16xi32>
    %sub3A_213 = vector.broadcast %sub3A_211 : i32 to vector<16xi32>
    %sub3A_214 = arith.subi %sub3A_213, %iota3A_212 : vector<16xi32>
    %swap3A_215 = arith.constant 48 : index
    %swap3A_216 = tpu.vector_load %arg9[%swap3A_215] {strides = array<i32>} : memref<64xi32, #tpu.memory_space<vmem>>, vector<16xi32>,
    %swap3A_217 = vector.shape_cast %swap3A_216 : vector<16xi32> to vector<16xi32>
    %swap3A_218 = vector.shape_cast %sub3A_214 : vector<16xi32> to vector<16xi32>
    tpu.vector_store %arg9[%swap3A_215], %swap3A_218 {strides = array<i32>} : memref<64xi32, #tpu.memory_space<vmem>>, vector<16xi32>,
    %sub3A_219 = arith.constant 4096 : i32
    %sub3A_220 = arith.subi %sub3A_219, %mul3A_2 : i32
    %sub3A_221 = arith.constant 64 : i32
    %sub3A_222 = arith.subi %sub3A_220, %sub3A_221 : i32
    %sub3A_223 = arith.constant 0 : i32
    %sub3A_224 = arith.subi %sub3A_222, %sub3A_223 : i32
    %iota3A_225 = tpu.iota {dimensions = array<i32: 0>} : vector<16xi32>
    %sub3A_226 = vector.broadcast %sub3A_224 : i32 to vector<16xi32>
    %sub3A_227 = arith.subi %sub3A_226, %iota3A_225 : vector<16xi32>
    %swap3A_228 = arith.constant 0 : index
    %swap3A_229 = tpu.vector_load %arg10[%swap3A_228] {strides = array<i32>} : memref<64xi32, #tpu.memory_space<vmem>>, vector<16xi32>,
    %swap3A_230 = vector.shape_cast %swap3A_229 : vector<16xi32> to vector<16xi32>
    %swap3A_231 = vector.shape_cast %sub3A_227 : vector<16xi32> to vector<16xi32>
    tpu.vector_store %arg10[%swap3A_228], %swap3A_231 {strides = array<i32>} : memref<64xi32, #tpu.memory_space<vmem>>, vector<16xi32>,
    %sub3A_232 = arith.constant 4096 : i32
    %sub3A_233 = arith.subi %sub3A_232, %mul3A_2 : i32
    %sub3A_234 = arith.constant 64 : i32
    %sub3A_235 = arith.subi %sub3A_233, %sub3A_234 : i32
    %sub3A_236 = arith.constant 16 : i32
    %sub3A_237 = arith.subi %sub3A_235, %sub3A_236 : i32
    %iota3A_238 = tpu.iota {dimensions = array<i32: 0>} : vector<16xi32>
    %sub3A_239 = vector.broadcast %sub3A_237 : i32 to vector<16xi32>
    %sub3A_240 = arith.subi %sub3A_239, %iota3A_238 : vector<16xi32>
    %swap3A_241 = arith.constant 16 : index
    %swap3A_242 = tpu.vector_load %arg10[%swap3A_241] {strides = array<i32>} : memref<64xi32, #tpu.memory_space<vmem>>, vector<16xi32>,
    %swap3A_243 = vector.shape_cast %swap3A_242 : vector<16xi32> to vector<16xi32>
    %swap3A_244 = vector.shape_cast %sub3A_240 : vector<16xi32> to vector<16xi32>
    tpu.vector_store %arg10[%swap3A_241], %swap3A_244 {strides = array<i32>} : memref<64xi32, #tpu.memory_space<vmem>>, vector<16xi32>,
    %sub3A_245 = arith.constant 4096 : i32
    %sub3A_246 = arith.subi %sub3A_245, %mul3A_2 : i32
    %sub3A_247 = arith.constant 64 : i32
    %sub3A_248 = arith.subi %sub3A_246, %sub3A_247 : i32
    %sub3A_249 = arith.constant 32 : i32
    %sub3A_250 = arith.subi %sub3A_248, %sub3A_249 : i32
    %iota3A_251 = tpu.iota {dimensions = array<i32: 0>} : vector<16xi32>
    %sub3A_252 = vector.broadcast %sub3A_250 : i32 to vector<16xi32>
    %sub3A_253 = arith.subi %sub3A_252, %iota3A_251 : vector<16xi32>
    %swap3A_254 = arith.constant 32 : index
    %swap3A_255 = tpu.vector_load %arg10[%swap3A_254] {strides = array<i32>} : memref<64xi32, #tpu.memory_space<vmem>>, vector<16xi32>,
    %swap3A_256 = vector.shape_cast %swap3A_255 : vector<16xi32> to vector<16xi32>
    %swap3A_257 = vector.shape_cast %sub3A_253 : vector<16xi32> to vector<16xi32>
    tpu.vector_store %arg10[%swap3A_254], %swap3A_257 {strides = array<i32>} : memref<64xi32, #tpu.memory_space<vmem>>, vector<16xi32>,
    %sub3A_258 = arith.constant 4096 : i32
    %sub3A_259 = arith.subi %sub3A_258, %mul3A_2 : i32
    %sub3A_260 = arith.constant 64 : i32
    %sub3A_261 = arith.subi %sub3A_259, %sub3A_260 : i32
    %sub3A_262 = arith.constant 48 : i32
    %sub3A_263 = arith.subi %sub3A_261, %sub3A_262 : i32
    %iota3A_264 = tpu.iota {dimensions = array<i32: 0>} : vector<16xi32>
    %sub3A_265 = vector.broadcast %sub3A_263 : i32 to vector<16xi32>
    %sub3A_266 = arith.subi %sub3A_265, %iota3A_264 : vector<16xi32>
    %swap3A_267 = arith.constant 48 : index
    %swap3A_268 = tpu.vector_load %arg10[%swap3A_267] {strides = array<i32>} : memref<64xi32, #tpu.memory_space<vmem>>, vector<16xi32>,
    %swap3A_269 = vector.shape_cast %swap3A_268 : vector<16xi32> to vector<16xi32>
    %swap3A_270 = vector.shape_cast %sub3A_266 : vector<16xi32> to vector<16xi32>
    tpu.vector_store %arg10[%swap3A_267], %swap3A_270 {strides = array<i32>} : memref<64xi32, #tpu.memory_space<vmem>>, vector<16xi32>,
    %sub3A_271 = arith.constant 12288 : i32
    %sub3A_272 = arith.subi %sub3A_271, %mul3A_2 : i32
    %sub3A_273 = arith.constant 64 : i32
    %sub3A_274 = arith.subi %sub3A_272, %sub3A_273 : i32
    %sub3A_275 = arith.constant 0 : i32
    %sub3A_276 = arith.subi %sub3A_274, %sub3A_275 : i32
    %iota3A_277 = tpu.iota {dimensions = array<i32: 0>} : vector<16xi32>
    %sub3A_278 = vector.broadcast %sub3A_276 : i32 to vector<16xi32>
    %sub3A_279 = arith.subi %sub3A_278, %iota3A_277 : vector<16xi32>
    %swap3A_280 = arith.constant 0 : index
    %swap3A_281 = tpu.vector_load %arg11[%swap3A_280] {strides = array<i32>} : memref<64xi32, #tpu.memory_space<vmem>>, vector<16xi32>,
    %swap3A_282 = vector.shape_cast %swap3A_281 : vector<16xi32> to vector<16xi32>
    %swap3A_283 = vector.shape_cast %sub3A_279 : vector<16xi32> to vector<16xi32>
    tpu.vector_store %arg11[%swap3A_280], %swap3A_283 {strides = array<i32>} : memref<64xi32, #tpu.memory_space<vmem>>, vector<16xi32>,
    %sub3A_284 = arith.constant 12288 : i32
    %sub3A_285 = arith.subi %sub3A_284, %mul3A_2 : i32
    %sub3A_286 = arith.constant 64 : i32
    %sub3A_287 = arith.subi %sub3A_285, %sub3A_286 : i32
    %sub3A_288 = arith.constant 16 : i32
    %sub3A_289 = arith.subi %sub3A_287, %sub3A_288 : i32
    %iota3A_290 = tpu.iota {dimensions = array<i32: 0>} : vector<16xi32>
    %sub3A_291 = vector.broadcast %sub3A_289 : i32 to vector<16xi32>
    %sub3A_292 = arith.subi %sub3A_291, %iota3A_290 : vector<16xi32>
    %swap3A_293 = arith.constant 16 : index
    %swap3A_294 = tpu.vector_load %arg11[%swap3A_293] {strides = array<i32>} : memref<64xi32, #tpu.memory_space<vmem>>, vector<16xi32>,
    %swap3A_295 = vector.shape_cast %swap3A_294 : vector<16xi32> to vector<16xi32>
    %swap3A_296 = vector.shape_cast %sub3A_292 : vector<16xi32> to vector<16xi32>
    tpu.vector_store %arg11[%swap3A_293], %swap3A_296 {strides = array<i32>} : memref<64xi32, #tpu.memory_space<vmem>>, vector<16xi32>,
    %sub3A_297 = arith.constant 12288 : i32
    %sub3A_298 = arith.subi %sub3A_297, %mul3A_2 : i32
    %sub3A_299 = arith.constant 64 : i32
    %sub3A_300 = arith.subi %sub3A_298, %sub3A_299 : i32
    %sub3A_301 = arith.constant 32 : i32
    %sub3A_302 = arith.subi %sub3A_300, %sub3A_301 : i32
    %iota3A_303 = tpu.iota {dimensions = array<i32: 0>} : vector<16xi32>
    %sub3A_304 = vector.broadcast %sub3A_302 : i32 to vector<16xi32>
    %sub3A_305 = arith.subi %sub3A_304, %iota3A_303 : vector<16xi32>
    %swap3A_306 = arith.constant 32 : index
    %swap3A_307 = tpu.vector_load %arg11[%swap3A_306] {strides = array<i32>} : memref<64xi32, #tpu.memory_space<vmem>>, vector<16xi32>,
    %swap3A_308 = vector.shape_cast %swap3A_307 : vector<16xi32> to vector<16xi32>
    %swap3A_309 = vector.shape_cast %sub3A_305 : vector<16xi32> to vector<16xi32>
    tpu.vector_store %arg11[%swap3A_306], %swap3A_309 {strides = array<i32>} : memref<64xi32, #tpu.memory_space<vmem>>, vector<16xi32>,
    %sub3A_310 = arith.constant 12288 : i32
    %sub3A_311 = arith.subi %sub3A_310, %mul3A_2 : i32
    %sub3A_312 = arith.constant 64 : i32
    %sub3A_313 = arith.subi %sub3A_311, %sub3A_312 : i32
    %sub3A_314 = arith.constant 48 : i32
    %sub3A_315 = arith.subi %sub3A_313, %sub3A_314 : i32
    %iota3A_316 = tpu.iota {dimensions = array<i32: 0>} : vector<16xi32>
    %sub3A_317 = vector.broadcast %sub3A_315 : i32 to vector<16xi32>
    %sub3A_318 = arith.subi %sub3A_317, %iota3A_316 : vector<16xi32>
    %swap3A_319 = arith.constant 48 : index
    %swap3A_320 = tpu.vector_load %arg11[%swap3A_319] {strides = array<i32>} : memref<64xi32, #tpu.memory_space<vmem>>, vector<16xi32>,
    %swap3A_321 = vector.shape_cast %swap3A_320 : vector<16xi32> to vector<16xi32>
    %swap3A_322 = vector.shape_cast %sub3A_318 : vector<16xi32> to vector<16xi32>
    tpu.vector_store %arg11[%swap3A_319], %swap3A_322 {strides = array<i32>} : memref<64xi32, #tpu.memory_space<vmem>>, vector<16xi32>,
    %sub3A_323 = arith.constant 20480 : i32
    %sub3A_324 = arith.subi %sub3A_323, %mul3A_2 : i32
    %sub3A_325 = arith.constant 64 : i32
    %sub3A_326 = arith.subi %sub3A_324, %sub3A_325 : i32
    %sub3A_327 = arith.constant 0 : i32
    %sub3A_328 = arith.subi %sub3A_326, %sub3A_327 : i32
    %iota3A_329 = tpu.iota {dimensions = array<i32: 0>} : vector<16xi32>
    %sub3A_330 = vector.broadcast %sub3A_328 : i32 to vector<16xi32>
    %sub3A_331 = arith.subi %sub3A_330, %iota3A_329 : vector<16xi32>
    %swap3A_332 = arith.constant 0 : index
    %swap3A_333 = tpu.vector_load %arg12[%swap3A_332] {strides = array<i32>} : memref<64xi32, #tpu.memory_space<vmem>>, vector<16xi32>,
    %swap3A_334 = vector.shape_cast %swap3A_333 : vector<16xi32> to vector<16xi32>
    %swap3A_335 = vector.shape_cast %sub3A_331 : vector<16xi32> to vector<16xi32>
    tpu.vector_store %arg12[%swap3A_332], %swap3A_335 {strides = array<i32>} : memref<64xi32, #tpu.memory_space<vmem>>, vector<16xi32>,
    %sub3A_336 = arith.constant 20480 : i32
    %sub3A_337 = arith.subi %sub3A_336, %mul3A_2 : i32
    %sub3A_338 = arith.constant 64 : i32
    %sub3A_339 = arith.subi %sub3A_337, %sub3A_338 : i32
    %sub3A_340 = arith.constant 16 : i32
    %sub3A_341 = arith.subi %sub3A_339, %sub3A_340 : i32
    %iota3A_342 = tpu.iota {dimensions = array<i32: 0>} : vector<16xi32>
    %sub3A_343 = vector.broadcast %sub3A_341 : i32 to vector<16xi32>
    %sub3A_344 = arith.subi %sub3A_343, %iota3A_342 : vector<16xi32>
    %swap3A_345 = arith.constant 16 : index
    %swap3A_346 = tpu.vector_load %arg12[%swap3A_345] {strides = array<i32>} : memref<64xi32, #tpu.memory_space<vmem>>, vector<16xi32>,
    %swap3A_347 = vector.shape_cast %swap3A_346 : vector<16xi32> to vector<16xi32>
    %swap3A_348 = vector.shape_cast %sub3A_344 : vector<16xi32> to vector<16xi32>
    tpu.vector_store %arg12[%swap3A_345], %swap3A_348 {strides = array<i32>} : memref<64xi32, #tpu.memory_space<vmem>>, vector<16xi32>,
    %sub3A_349 = arith.constant 20480 : i32
    %sub3A_350 = arith.subi %sub3A_349, %mul3A_2 : i32
    %sub3A_351 = arith.constant 64 : i32
    %sub3A_352 = arith.subi %sub3A_350, %sub3A_351 : i32
    %sub3A_353 = arith.constant 32 : i32
    %sub3A_354 = arith.subi %sub3A_352, %sub3A_353 : i32
    %iota3A_355 = tpu.iota {dimensions = array<i32: 0>} : vector<16xi32>
    %sub3A_356 = vector.broadcast %sub3A_354 : i32 to vector<16xi32>
    %sub3A_357 = arith.subi %sub3A_356, %iota3A_355 : vector<16xi32>
    %swap3A_358 = arith.constant 32 : index
    %swap3A_359 = tpu.vector_load %arg12[%swap3A_358] {strides = array<i32>} : memref<64xi32, #tpu.memory_space<vmem>>, vector<16xi32>,
    %swap3A_360 = vector.shape_cast %swap3A_359 : vector<16xi32> to vector<16xi32>
    %swap3A_361 = vector.shape_cast %sub3A_357 : vector<16xi32> to vector<16xi32>
    tpu.vector_store %arg12[%swap3A_358], %swap3A_361 {strides = array<i32>} : memref<64xi32, #tpu.memory_space<vmem>>, vector<16xi32>,
    %sub3A_362 = arith.constant 20480 : i32
    %sub3A_363 = arith.subi %sub3A_362, %mul3A_2 : i32
    %sub3A_364 = arith.constant 64 : i32
    %sub3A_365 = arith.subi %sub3A_363, %sub3A_364 : i32
    %sub3A_366 = arith.constant 48 : i32
    %sub3A_367 = arith.subi %sub3A_365, %sub3A_366 : i32
    %iota3A_368 = tpu.iota {dimensions = array<i32: 0>} : vector<16xi32>
    %sub3A_369 = vector.broadcast %sub3A_367 : i32 to vector<16xi32>
    %sub3A_370 = arith.subi %sub3A_369, %iota3A_368 : vector<16xi32>
    %swap3A_371 = arith.constant 48 : index
    %swap3A_372 = tpu.vector_load %arg12[%swap3A_371] {strides = array<i32>} : memref<64xi32, #tpu.memory_space<vmem>>, vector<16xi32>,
    %swap3A_373 = vector.shape_cast %swap3A_372 : vector<16xi32> to vector<16xi32>
    %swap3A_374 = vector.shape_cast %sub3A_370 : vector<16xi32> to vector<16xi32>
    tpu.vector_store %arg12[%swap3A_371], %swap3A_374 {strides = array<i32>} : memref<64xi32, #tpu.memory_space<vmem>>, vector<16xi32>,
    %sub3A_375 = arith.constant 28672 : i32
    %sub3A_376 = arith.subi %sub3A_375, %mul3A_2 : i32
    %sub3A_377 = arith.constant 64 : i32
    %sub3A_378 = arith.subi %sub3A_376, %sub3A_377 : i32
    %sub3A_379 = arith.constant 0 : i32
    %sub3A_380 = arith.subi %sub3A_378, %sub3A_379 : i32
    %iota3A_381 = tpu.iota {dimensions = array<i32: 0>} : vector<16xi32>
    %sub3A_382 = vector.broadcast %sub3A_380 : i32 to vector<16xi32>
    %sub3A_383 = arith.subi %sub3A_382, %iota3A_381 : vector<16xi32>
    %swap3A_384 = arith.constant 0 : index
    %swap3A_385 = tpu.vector_load %arg13[%swap3A_384] {strides = array<i32>} : memref<64xi32, #tpu.memory_space<vmem>>, vector<16xi32>,
    %swap3A_386 = vector.shape_cast %swap3A_385 : vector<16xi32> to vector<16xi32>
    %swap3A_387 = vector.shape_cast %sub3A_383 : vector<16xi32> to vector<16xi32>
    tpu.vector_store %arg13[%swap3A_384], %swap3A_387 {strides = array<i32>} : memref<64xi32, #tpu.memory_space<vmem>>, vector<16xi32>,
    %sub3A_388 = arith.constant 28672 : i32
    %sub3A_389 = arith.subi %sub3A_388, %mul3A_2 : i32
    %sub3A_390 = arith.constant 64 : i32
    %sub3A_391 = arith.subi %sub3A_389, %sub3A_390 : i32
    %sub3A_392 = arith.constant 16 : i32
    %sub3A_393 = arith.subi %sub3A_391, %sub3A_392 : i32
    %iota3A_394 = tpu.iota {dimensions = array<i32: 0>} : vector<16xi32>
    %sub3A_395 = vector.broadcast %sub3A_393 : i32 to vector<16xi32>
    %sub3A_396 = arith.subi %sub3A_395, %iota3A_394 : vector<16xi32>
    %swap3A_397 = arith.constant 16 : index
    %swap3A_398 = tpu.vector_load %arg13[%swap3A_397] {strides = array<i32>} : memref<64xi32, #tpu.memory_space<vmem>>, vector<16xi32>,
    %swap3A_399 = vector.shape_cast %swap3A_398 : vector<16xi32> to vector<16xi32>
    %swap3A_400 = vector.shape_cast %sub3A_396 : vector<16xi32> to vector<16xi32>
    tpu.vector_store %arg13[%swap3A_397], %swap3A_400 {strides = array<i32>} : memref<64xi32, #tpu.memory_space<vmem>>, vector<16xi32>,
    %sub3A_401 = arith.constant 28672 : i32
    %sub3A_402 = arith.subi %sub3A_401, %mul3A_2 : i32
    %sub3A_403 = arith.constant 64 : i32
    %sub3A_404 = arith.subi %sub3A_402, %sub3A_403 : i32
    %sub3A_405 = arith.constant 32 : i32
    %sub3A_406 = arith.subi %sub3A_404, %sub3A_405 : i32
    %iota3A_407 = tpu.iota {dimensions = array<i32: 0>} : vector<16xi32>
    %sub3A_408 = vector.broadcast %sub3A_406 : i32 to vector<16xi32>
    %sub3A_409 = arith.subi %sub3A_408, %iota3A_407 : vector<16xi32>
    %swap3A_410 = arith.constant 32 : index
    %swap3A_411 = tpu.vector_load %arg13[%swap3A_410] {strides = array<i32>} : memref<64xi32, #tpu.memory_space<vmem>>, vector<16xi32>,
    %swap3A_412 = vector.shape_cast %swap3A_411 : vector<16xi32> to vector<16xi32>
    %swap3A_413 = vector.shape_cast %sub3A_409 : vector<16xi32> to vector<16xi32>
    tpu.vector_store %arg13[%swap3A_410], %swap3A_413 {strides = array<i32>} : memref<64xi32, #tpu.memory_space<vmem>>, vector<16xi32>,
    %sub3A_414 = arith.constant 28672 : i32
    %sub3A_415 = arith.subi %sub3A_414, %mul3A_2 : i32
    %sub3A_416 = arith.constant 64 : i32
    %sub3A_417 = arith.subi %sub3A_415, %sub3A_416 : i32
    %sub3A_418 = arith.constant 48 : i32
    %sub3A_419 = arith.subi %sub3A_417, %sub3A_418 : i32
    %iota3A_420 = tpu.iota {dimensions = array<i32: 0>} : vector<16xi32>
    %sub3A_421 = vector.broadcast %sub3A_419 : i32 to vector<16xi32>
    %sub3A_422 = arith.subi %sub3A_421, %iota3A_420 : vector<16xi32>
    %swap3A_423 = arith.constant 48 : index
    %swap3A_424 = tpu.vector_load %arg13[%swap3A_423] {strides = array<i32>} : memref<64xi32, #tpu.memory_space<vmem>>, vector<16xi32>,
    %swap3A_425 = vector.shape_cast %swap3A_424 : vector<16xi32> to vector<16xi32>
    %swap3A_426 = vector.shape_cast %sub3A_422 : vector<16xi32> to vector<16xi32>
    tpu.vector_store %arg13[%swap3A_423], %swap3A_426 {strides = array<i32>} : memref<64xi32, #tpu.memory_space<vmem>>, vector<16xi32>,
    %add3A_427 = arith.constant 0 : i32
    %add3A_428 = arith.addi %mul3A_2, %add3A_427 : i32
    %dma_wait3A = arith.constant 0 : i32
    %dma_wait3A_429 = tpu.memref_slice %arg2[%add3A_428, %dma_wait3A] : memref<8192x768xf32, #tpu.memory_space<hbm>> -> memref<64x768xf32, #tpu.memory_space<hbm>>
    %dma_wait3A_430 = arith.constant 0 : i32
    %dma_wait3A_431 = tpu.memref_slice %arg2[%add3A_428, %dma_wait3A_430] : memref<8192x768xf32, #tpu.memory_space<hbm>> -> memref<64x768xf32, #tpu.memory_space<hbm>>
    tpu.wait_dma2 semaphore(%arg19 : memref<!tpu.dma_semaphore, #tpu.memory_space<semaphore_mem>>) src(%dma_wait3A_431 : memref<64x768xf32, #tpu.memory_space<hbm>>) dst(%arg4 : memref<64x768xf32, #tpu.memory_space<vmem>>)
    %dma_start3A_432 = arith.constant 0 : i32
    %dma_start3A_433 = arith.constant 0 : i32
    %dma_start3A_434 = tpu.memref_slice %arg3[%dma_start3A_432, %dma_start3A_433] : memref<32768x768xf32, #tpu.memory_space<hbm>> -> memref<32768x768xf32, #tpu.memory_space<hbm>>
    tpu.enqueue_indirect_dma source(%arg4 : memref<64x768xf32, #tpu.memory_space<vmem>>) target(%dma_start3A_434 : memref<32768x768xf32, #tpu.memory_space<hbm>>) offsets(%arg6 : memref<64xi32, #tpu.memory_space<vmem>>) semaphore(%arg17 : memref<!tpu.dma_semaphore, #tpu.memory_space<semaphore_mem>>)
    %add3A_435 = arith.constant 4096 : i32
    %add3A_436 = arith.addi %add3A_435, %mul3A_2 : i32
    %add3A_437 = arith.constant 0 : i32
    %add3A_438 = arith.addi %add3A_436, %add3A_437 : i32
    %dma_start3A_439 = arith.constant 0 : i32
    %dma_start3A_440 = tpu.memref_slice %arg3[%add3A_438, %dma_start3A_439] : memref<32768x768xf32, #tpu.memory_space<hbm>> -> memref<64x768xf32, #tpu.memory_space<hbm>>
    %dma_start3A_441 = arith.constant 0 : i32
    %dma_start3A_442 = tpu.memref_slice %arg3[%add3A_438, %dma_start3A_441] : memref<32768x768xf32, #tpu.memory_space<hbm>> -> memref<64x768xf32, #tpu.memory_space<hbm>>
    tpu.enqueue_dma source(%arg4 : memref<64x768xf32, #tpu.memory_space<vmem>>) target(%dma_start3A_442 : memref<64x768xf32, #tpu.memory_space<hbm>>) target_semaphore(%arg17 : memref<!tpu.dma_semaphore, #tpu.memory_space<semaphore_mem>>)
    %dma_start3A_443 = arith.constant 0 : i32
    %dma_start3A_444 = arith.constant 0 : i32
    %dma_start3A_445 = tpu.memref_slice %arg3[%dma_start3A_443, %dma_start3A_444] : memref<32768x768xf32, #tpu.memory_space<hbm>> -> memref<32768x768xf32, #tpu.memory_space<hbm>>
    tpu.enqueue_indirect_dma source(%arg4 : memref<64x768xf32, #tpu.memory_space<vmem>>) target(%dma_start3A_445 : memref<32768x768xf32, #tpu.memory_space<hbm>>) offsets(%arg7 : memref<64xi32, #tpu.memory_space<vmem>>) semaphore(%arg17 : memref<!tpu.dma_semaphore, #tpu.memory_space<semaphore_mem>>)
    %add3A_446 = arith.constant 12288 : i32
    %add3A_447 = arith.addi %add3A_446, %mul3A_2 : i32
    %add3A_448 = arith.constant 0 : i32
    %add3A_449 = arith.addi %add3A_447, %add3A_448 : i32
    %dma_start3A_450 = arith.constant 0 : i32
    %dma_start3A_451 = tpu.memref_slice %arg3[%add3A_449, %dma_start3A_450] : memref<32768x768xf32, #tpu.memory_space<hbm>> -> memref<64x768xf32, #tpu.memory_space<hbm>>
    %dma_start3A_452 = arith.constant 0 : i32
    %dma_start3A_453 = tpu.memref_slice %arg3[%add3A_449, %dma_start3A_452] : memref<32768x768xf32, #tpu.memory_space<hbm>> -> memref<64x768xf32, #tpu.memory_space<hbm>>
    tpu.enqueue_dma source(%arg4 : memref<64x768xf32, #tpu.memory_space<vmem>>) target(%dma_start3A_453 : memref<64x768xf32, #tpu.memory_space<hbm>>) target_semaphore(%arg17 : memref<!tpu.dma_semaphore, #tpu.memory_space<semaphore_mem>>)
    %dma_start3A_454 = arith.constant 0 : i32
    %dma_start3A_455 = arith.constant 0 : i32
    %dma_start3A_456 = tpu.memref_slice %arg3[%dma_start3A_454, %dma_start3A_455] : memref<32768x768xf32, #tpu.memory_space<hbm>> -> memref<32768x768xf32, #tpu.memory_space<hbm>>
    tpu.enqueue_indirect_dma source(%arg4 : memref<64x768xf32, #tpu.memory_space<vmem>>) target(%dma_start3A_456 : memref<32768x768xf32, #tpu.memory_space<hbm>>) offsets(%arg8 : memref<64xi32, #tpu.memory_space<vmem>>) semaphore(%arg17 : memref<!tpu.dma_semaphore, #tpu.memory_space<semaphore_mem>>)
    %add3A_457 = arith.constant 20480 : i32
    %add3A_458 = arith.addi %add3A_457, %mul3A_2 : i32
    %add3A_459 = arith.constant 0 : i32
    %add3A_460 = arith.addi %add3A_458, %add3A_459 : i32
    %dma_start3A_461 = arith.constant 0 : i32
    %dma_start3A_462 = tpu.memref_slice %arg3[%add3A_460, %dma_start3A_461] : memref<32768x768xf32, #tpu.memory_space<hbm>> -> memref<64x768xf32, #tpu.memory_space<hbm>>
    %dma_start3A_463 = arith.constant 0 : i32
    %dma_start3A_464 = tpu.memref_slice %arg3[%add3A_460, %dma_start3A_463] : memref<32768x768xf32, #tpu.memory_space<hbm>> -> memref<64x768xf32, #tpu.memory_space<hbm>>
    tpu.enqueue_dma source(%arg4 : memref<64x768xf32, #tpu.memory_space<vmem>>) target(%dma_start3A_464 : memref<64x768xf32, #tpu.memory_space<hbm>>) target_semaphore(%arg17 : memref<!tpu.dma_semaphore, #tpu.memory_space<semaphore_mem>>)
    %dma_start3A_465 = arith.constant 0 : i32
    %dma_start3A_466 = arith.constant 0 : i32
    %dma_start3A_467 = tpu.memref_slice %arg3[%dma_start3A_465, %dma_start3A_466] : memref<32768x768xf32, #tpu.memory_space<hbm>> -> memref<32768x768xf32, #tpu.memory_space<hbm>>
    tpu.enqueue_indirect_dma source(%arg4 : memref<64x768xf32, #tpu.memory_space<vmem>>) target(%dma_start3A_467 : memref<32768x768xf32, #tpu.memory_space<hbm>>) offsets(%arg9 : memref<64xi32, #tpu.memory_space<vmem>>) semaphore(%arg17 : memref<!tpu.dma_semaphore, #tpu.memory_space<semaphore_mem>>)
    %add3A_468 = arith.constant 28672 : i32
    %add3A_469 = arith.addi %add3A_468, %mul3A_2 : i32
    %add3A_470 = arith.constant 0 : i32
    %add3A_471 = arith.addi %add3A_469, %add3A_470 : i32
    %dma_start3A_472 = arith.constant 0 : i32
    %dma_start3A_473 = tpu.memref_slice %arg3[%add3A_471, %dma_start3A_472] : memref<32768x768xf32, #tpu.memory_space<hbm>> -> memref<64x768xf32, #tpu.memory_space<hbm>>
    %dma_start3A_474 = arith.constant 0 : i32
    %dma_start3A_475 = tpu.memref_slice %arg3[%add3A_471, %dma_start3A_474] : memref<32768x768xf32, #tpu.memory_space<hbm>> -> memref<64x768xf32, #tpu.memory_space<hbm>>
    tpu.enqueue_dma source(%arg4 : memref<64x768xf32, #tpu.memory_space<vmem>>) target(%dma_start3A_475 : memref<64x768xf32, #tpu.memory_space<hbm>>) target_semaphore(%arg17 : memref<!tpu.dma_semaphore, #tpu.memory_space<semaphore_mem>>)
    %add3A_476 = arith.constant 64 : i32
    %add3A_477 = arith.addi %mul3A_2, %add3A_476 : i32
    %dma_wait3A_478 = arith.constant 0 : i32
    %dma_wait3A_479 = tpu.memref_slice %arg2[%add3A_477, %dma_wait3A_478] : memref<8192x768xf32, #tpu.memory_space<hbm>> -> memref<64x768xf32, #tpu.memory_space<hbm>>
    %dma_wait3A_480 = arith.constant 0 : i32
    %dma_wait3A_481 = tpu.memref_slice %arg2[%add3A_477, %dma_wait3A_480] : memref<8192x768xf32, #tpu.memory_space<hbm>> -> memref<64x768xf32, #tpu.memory_space<hbm>>
    tpu.wait_dma2 semaphore(%arg19 : memref<!tpu.dma_semaphore, #tpu.memory_space<semaphore_mem>>) src(%dma_wait3A_481 : memref<64x768xf32, #tpu.memory_space<hbm>>) dst(%arg5 : memref<64x768xf32, #tpu.memory_space<vmem>>)
    %dma_start3A_482 = arith.constant 0 : i32
    %dma_start3A_483 = arith.constant 0 : i32
    %dma_start3A_484 = tpu.memref_slice %arg3[%dma_start3A_482, %dma_start3A_483] : memref<32768x768xf32, #tpu.memory_space<hbm>> -> memref<32768x768xf32, #tpu.memory_space<hbm>>
    tpu.enqueue_indirect_dma source(%arg5 : memref<64x768xf32, #tpu.memory_space<vmem>>) target(%dma_start3A_484 : memref<32768x768xf32, #tpu.memory_space<hbm>>) offsets(%arg10 : memref<64xi32, #tpu.memory_space<vmem>>) semaphore(%arg17 : memref<!tpu.dma_semaphore, #tpu.memory_space<semaphore_mem>>)
    %add3A_485 = arith.constant 4096 : i32
    %add3A_486 = arith.addi %add3A_485, %mul3A_2 : i32
    %add3A_487 = arith.constant 64 : i32
    %add3A_488 = arith.addi %add3A_486, %add3A_487 : i32
    %dma_start3A_489 = arith.constant 0 : i32
    %dma_start3A_490 = tpu.memref_slice %arg3[%add3A_488, %dma_start3A_489] : memref<32768x768xf32, #tpu.memory_space<hbm>> -> memref<64x768xf32, #tpu.memory_space<hbm>>
    %dma_start3A_491 = arith.constant 0 : i32
    %dma_start3A_492 = tpu.memref_slice %arg3[%add3A_488, %dma_start3A_491] : memref<32768x768xf32, #tpu.memory_space<hbm>> -> memref<64x768xf32, #tpu.memory_space<hbm>>
    tpu.enqueue_dma source(%arg5 : memref<64x768xf32, #tpu.memory_space<vmem>>) target(%dma_start3A_492 : memref<64x768xf32, #tpu.memory_space<hbm>>) target_semaphore(%arg17 : memref<!tpu.dma_semaphore, #tpu.memory_space<semaphore_mem>>)
    %dma_start3A_493 = arith.constant 0 : i32
    %dma_start3A_494 = arith.constant 0 : i32
    %dma_start3A_495 = tpu.memref_slice %arg3[%dma_start3A_493, %dma_start3A_494] : memref<32768x768xf32, #tpu.memory_space<hbm>> -> memref<32768x768xf32, #tpu.memory_space<hbm>>
    tpu.enqueue_indirect_dma source(%arg5 : memref<64x768xf32, #tpu.memory_space<vmem>>) target(%dma_start3A_495 : memref<32768x768xf32, #tpu.memory_space<hbm>>) offsets(%arg11 : memref<64xi32, #tpu.memory_space<vmem>>) semaphore(%arg17 : memref<!tpu.dma_semaphore, #tpu.memory_space<semaphore_mem>>)
    %add3A_496 = arith.constant 12288 : i32
    %add3A_497 = arith.addi %add3A_496, %mul3A_2 : i32
    %add3A_498 = arith.constant 64 : i32
    %add3A_499 = arith.addi %add3A_497, %add3A_498 : i32
    %dma_start3A_500 = arith.constant 0 : i32
    %dma_start3A_501 = tpu.memref_slice %arg3[%add3A_499, %dma_start3A_500] : memref<32768x768xf32, #tpu.memory_space<hbm>> -> memref<64x768xf32, #tpu.memory_space<hbm>>
    %dma_start3A_502 = arith.constant 0 : i32
    %dma_start3A_503 = tpu.memref_slice %arg3[%add3A_499, %dma_start3A_502] : memref<32768x768xf32, #tpu.memory_space<hbm>> -> memref<64x768xf32, #tpu.memory_space<hbm>>
    tpu.enqueue_dma source(%arg5 : memref<64x768xf32, #tpu.memory_space<vmem>>) target(%dma_start3A_503 : memref<64x768xf32, #tpu.memory_space<hbm>>) target_semaphore(%arg17 : memref<!tpu.dma_semaphore, #tpu.memory_space<semaphore_mem>>)
    %dma_start3A_504 = arith.constant 0 : i32
    %dma_start3A_505 = arith.constant 0 : i32
    %dma_start3A_506 = tpu.memref_slice %arg3[%dma_start3A_504, %dma_start3A_505] : memref<32768x768xf32, #tpu.memory_space<hbm>> -> memref<32768x768xf32, #tpu.memory_space<hbm>>
    tpu.enqueue_indirect_dma source(%arg5 : memref<64x768xf32, #tpu.memory_space<vmem>>) target(%dma_start3A_506 : memref<32768x768xf32, #tpu.memory_space<hbm>>) offsets(%arg12 : memref<64xi32, #tpu.memory_space<vmem>>) semaphore(%arg17 : memref<!tpu.dma_semaphore, #tpu.memory_space<semaphore_mem>>)
    %add3A_507 = arith.constant 20480 : i32
    %add3A_508 = arith.addi %add3A_507, %mul3A_2 : i32
    %add3A_509 = arith.constant 64 : i32
    %add3A_510 = arith.addi %add3A_508, %add3A_509 : i32
    %dma_start3A_511 = arith.constant 0 : i32
    %dma_start3A_512 = tpu.memref_slice %arg3[%add3A_510, %dma_start3A_511] : memref<32768x768xf32, #tpu.memory_space<hbm>> -> memref<64x768xf32, #tpu.memory_space<hbm>>
    %dma_start3A_513 = arith.constant 0 : i32
    %dma_start3A_514 = tpu.memref_slice %arg3[%add3A_510, %dma_start3A_513] : memref<32768x768xf32, #tpu.memory_space<hbm>> -> memref<64x768xf32, #tpu.memory_space<hbm>>
    tpu.enqueue_dma source(%arg5 : memref<64x768xf32, #tpu.memory_space<vmem>>) target(%dma_start3A_514 : memref<64x768xf32, #tpu.memory_space<hbm>>) target_semaphore(%arg17 : memref<!tpu.dma_semaphore, #tpu.memory_space<semaphore_mem>>)
    %dma_start3A_515 = arith.constant 0 : i32
    %dma_start3A_516 = arith.constant 0 : i32
    %dma_start3A_517 = tpu.memref_slice %arg3[%dma_start3A_515, %dma_start3A_516] : memref<32768x768xf32, #tpu.memory_space<hbm>> -> memref<32768x768xf32, #tpu.memory_space<hbm>>
    tpu.enqueue_indirect_dma source(%arg5 : memref<64x768xf32, #tpu.memory_space<vmem>>) target(%dma_start3A_517 : memref<32768x768xf32, #tpu.memory_space<hbm>>) offsets(%arg13 : memref<64xi32, #tpu.memory_space<vmem>>) semaphore(%arg17 : memref<!tpu.dma_semaphore, #tpu.memory_space<semaphore_mem>>)
    %add3A_518 = arith.constant 28672 : i32
    %add3A_519 = arith.addi %add3A_518, %mul3A_2 : i32
    %add3A_520 = arith.constant 64 : i32
    %add3A_521 = arith.addi %add3A_519, %add3A_520 : i32
    %dma_start3A_522 = arith.constant 0 : i32
    %dma_start3A_523 = tpu.memref_slice %arg3[%add3A_521, %dma_start3A_522] : memref<32768x768xf32, #tpu.memory_space<hbm>> -> memref<64x768xf32, #tpu.memory_space<hbm>>
    %dma_start3A_524 = arith.constant 0 : i32
    %dma_start3A_525 = tpu.memref_slice %arg3[%add3A_521, %dma_start3A_524] : memref<32768x768xf32, #tpu.memory_space<hbm>> -> memref<64x768xf32, #tpu.memory_space<hbm>>
    tpu.enqueue_dma source(%arg5 : memref<64x768xf32, #tpu.memory_space<vmem>>) target(%dma_start3A_525 : memref<64x768xf32, #tpu.memory_space<hbm>>) target_semaphore(%arg17 : memref<!tpu.dma_semaphore, #tpu.memory_space<semaphore_mem>>)
    %lt3A = arith.constant 4 : i32
    %lt3A_526 = arith.cmpi slt, %add3A, %lt3A : i32
    %convert_element_type3A = arith.extui %lt3A_526 : i1 to i32
    %cond3A = arith.constant 0 : i32
    %cond3A_527 = arith.cmpi ne, %convert_element_type3A, %cond3A : i32
    scf.if %cond3A_527 {
      %iota3A_584 = tpu.iota {dimensions = array<i32: 0>} : vector<16xi32>
      %sub3A_585 = arith.constant 4096 : i32
      %sub3A_586 = vector.broadcast %sub3A_585 : i32 to vector<16xi32>
      %sub3A_587 = arith.subi %sub3A_586, %iota3A_584 : vector<16xi32>
      %swap3A_588 = arith.constant 0 : index
      %swap3A_589 = tpu.vector_load %arg15[%swap3A_588] {strides = array<i32>} : memref<16xi32, #tpu.memory_space<vmem>>, vector<16xi32>,
      %swap3A_590 = vector.shape_cast %swap3A_589 : vector<16xi32> to vector<16xi32>
      %swap3A_591 = vector.shape_cast %sub3A_587 : vector<16xi32> to vector<16xi32>
      tpu.vector_store %arg15[%swap3A_588], %swap3A_591 {strides = array<i32>} : memref<16xi32, #tpu.memory_space<vmem>>, vector<16xi32>,
      %mul3A_592 = arith.constant 8192 : i32
      %mul3A_593 = arith.muli %add3A, %mul3A_592 : i32
      %iota3A_594 = tpu.iota {dimensions = array<i32: 0>} : vector<16xi32>
      %add3A_595 = vector.broadcast %mul3A_593 : i32 to vector<16xi32>
      %add3A_596 = arith.addi %add3A_595, %iota3A_594 : vector<16xi32>
      %swap3A_597 = arith.constant 0 : index
      %swap3A_598 = tpu.vector_load %arg16[%swap3A_597] {strides = array<i32>} : memref<16xi32, #tpu.memory_space<vmem>>, vector<16xi32>,
      %swap3A_599 = vector.shape_cast %swap3A_598 : vector<16xi32> to vector<16xi32>
      %swap3A_600 = vector.shape_cast %add3A_596 : vector<16xi32> to vector<16xi32>
      tpu.vector_store %arg16[%swap3A_597], %swap3A_600 {strides = array<i32>} : memref<16xi32, #tpu.memory_space<vmem>>, vector<16xi32>,
      %dma_start3A_601 = arith.constant 0 : i32
      %dma_start3A_602 = arith.constant 0 : i32
      %dma_start3A_603 = tpu.memref_slice %arg2[%dma_start3A_601, %dma_start3A_602] : memref<8192x768xf32, #tpu.memory_space<hbm>> -> memref<8192x768xf32, #tpu.memory_space<hbm>>
      tpu.enqueue_indirect_dma source(%dma_start3A_603 : memref<8192x768xf32, #tpu.memory_space<hbm>>) target(%arg14 : memref<16x768xf32, #tpu.memory_space<vmem>>) offsets(%arg15 : memref<16xi32, #tpu.memory_space<vmem>>) semaphore(%arg18 : memref<!tpu.dma_semaphore, #tpu.memory_space<semaphore_mem>>)
      %dma_wait3A_604 = arith.constant 0 : i32
      %dma_wait3A_605 = arith.constant 0 : i32
      %dma_wait3A_606 = tpu.memref_slice %arg2[%dma_wait3A_604, %dma_wait3A_605] : memref<8192x768xf32, #tpu.memory_space<hbm>> -> memref<8192x768xf32, #tpu.memory_space<hbm>>
      tpu.wait_indirect_dma semaphore(%arg18 : memref<!tpu.dma_semaphore, #tpu.memory_space<semaphore_mem>>) src(%dma_wait3A_606 : memref<8192x768xf32, #tpu.memory_space<hbm>>) dst(%arg14 : memref<16x768xf32, #tpu.memory_space<vmem>>)
      %dma_start3A_607 = arith.constant 0 : i32
      %dma_start3A_608 = arith.constant 0 : i32
      %dma_start3A_609 = tpu.memref_slice %arg3[%dma_start3A_607, %dma_start3A_608] : memref<32768x768xf32, #tpu.memory_space<hbm>> -> memref<32768x768xf32, #tpu.memory_space<hbm>>
      tpu.enqueue_indirect_dma source(%arg14 : memref<16x768xf32, #tpu.memory_space<vmem>>) target(%dma_start3A_609 : memref<32768x768xf32, #tpu.memory_space<hbm>>) offsets(%arg16 : memref<16xi32, #tpu.memory_space<vmem>>) semaphore(%arg18 : memref<!tpu.dma_semaphore, #tpu.memory_space<semaphore_mem>>)
      %dma_wait3A_610 = arith.constant 0 : i32
      %dma_wait3A_611 = arith.constant 0 : i32
      %dma_wait3A_612 = tpu.memref_slice %arg3[%dma_wait3A_610, %dma_wait3A_611] : memref<32768x768xf32, #tpu.memory_space<hbm>> -> memref<32768x768xf32, #tpu.memory_space<hbm>>
      tpu.wait_indirect_dma semaphore(%arg18 : memref<!tpu.dma_semaphore, #tpu.memory_space<semaphore_mem>>) src(%arg14 : memref<16x768xf32, #tpu.memory_space<vmem>>) dst(%dma_wait3A_612 : memref<32768x768xf32, #tpu.memory_space<hbm>>)
    } else {
    }
    %dma_wait3A_528 = arith.constant 0 : i32
    %dma_wait3A_529 = arith.constant 0 : i32
    %dma_wait3A_530 = tpu.memref_slice %arg3[%dma_wait3A_528, %dma_wait3A_529] : memref<32768x768xf32, #tpu.memory_space<hbm>> -> memref<32768x768xf32, #tpu.memory_space<hbm>>
    tpu.wait_indirect_dma semaphore(%arg17 : memref<!tpu.dma_semaphore, #tpu.memory_space<semaphore_mem>>) src(%arg4 : memref<64x768xf32, #tpu.memory_space<vmem>>) dst(%dma_wait3A_530 : memref<32768x768xf32, #tpu.memory_space<hbm>>)
    %dma_wait3A_531 = arith.constant 0 : i32
    %dma_wait3A_532 = tpu.memref_slice %arg3[%add3A_438, %dma_wait3A_531] : memref<32768x768xf32, #tpu.memory_space<hbm>> -> memref<64x768xf32, #tpu.memory_space<hbm>>
    %dma_wait3A_533 = arith.constant 0 : i32
    %dma_wait3A_534 = tpu.memref_slice %arg3[%add3A_438, %dma_wait3A_533] : memref<32768x768xf32, #tpu.memory_space<hbm>> -> memref<64x768xf32, #tpu.memory_space<hbm>>
    tpu.wait_dma2 semaphore(%arg17 : memref<!tpu.dma_semaphore, #tpu.memory_space<semaphore_mem>>) src(%arg4 : memref<64x768xf32, #tpu.memory_space<vmem>>) dst(%dma_wait3A_534 : memref<64x768xf32, #tpu.memory_space<hbm>>)
    %dma_wait3A_535 = arith.constant 0 : i32
    %dma_wait3A_536 = arith.constant 0 : i32
    %dma_wait3A_537 = tpu.memref_slice %arg3[%dma_wait3A_535, %dma_wait3A_536] : memref<32768x768xf32, #tpu.memory_space<hbm>> -> memref<32768x768xf32, #tpu.memory_space<hbm>>
    tpu.wait_indirect_dma semaphore(%arg17 : memref<!tpu.dma_semaphore, #tpu.memory_space<semaphore_mem>>) src(%arg4 : memref<64x768xf32, #tpu.memory_space<vmem>>) dst(%dma_wait3A_537 : memref<32768x768xf32, #tpu.memory_space<hbm>>)
    %dma_wait3A_538 = arith.constant 0 : i32
    %dma_wait3A_539 = tpu.memref_slice %arg3[%add3A_449, %dma_wait3A_538] : memref<32768x768xf32, #tpu.memory_space<hbm>> -> memref<64x768xf32, #tpu.memory_space<hbm>>
    %dma_wait3A_540 = arith.constant 0 : i32
    %dma_wait3A_541 = tpu.memref_slice %arg3[%add3A_449, %dma_wait3A_540] : memref<32768x768xf32, #tpu.memory_space<hbm>> -> memref<64x768xf32, #tpu.memory_space<hbm>>
    tpu.wait_dma2 semaphore(%arg17 : memref<!tpu.dma_semaphore, #tpu.memory_space<semaphore_mem>>) src(%arg4 : memref<64x768xf32, #tpu.memory_space<vmem>>) dst(%dma_wait3A_541 : memref<64x768xf32, #tpu.memory_space<hbm>>)
    %dma_wait3A_542 = arith.constant 0 : i32
    %dma_wait3A_543 = arith.constant 0 : i32
    %dma_wait3A_544 = tpu.memref_slice %arg3[%dma_wait3A_542, %dma_wait3A_543] : memref<32768x768xf32, #tpu.memory_space<hbm>> -> memref<32768x768xf32, #tpu.memory_space<hbm>>
    tpu.wait_indirect_dma semaphore(%arg17 : memref<!tpu.dma_semaphore, #tpu.memory_space<semaphore_mem>>) src(%arg4 : memref<64x768xf32, #tpu.memory_space<vmem>>) dst(%dma_wait3A_544 : memref<32768x768xf32, #tpu.memory_space<hbm>>)
    %dma_wait3A_545 = arith.constant 0 : i32
    %dma_wait3A_546 = tpu.memref_slice %arg3[%add3A_460, %dma_wait3A_545] : memref<32768x768xf32, #tpu.memory_space<hbm>> -> memref<64x768xf32, #tpu.memory_space<hbm>>
    %dma_wait3A_547 = arith.constant 0 : i32
    %dma_wait3A_548 = tpu.memref_slice %arg3[%add3A_460, %dma_wait3A_547] : memref<32768x768xf32, #tpu.memory_space<hbm>> -> memref<64x768xf32, #tpu.memory_space<hbm>>
    tpu.wait_dma2 semaphore(%arg17 : memref<!tpu.dma_semaphore, #tpu.memory_space<semaphore_mem>>) src(%arg4 : memref<64x768xf32, #tpu.memory_space<vmem>>) dst(%dma_wait3A_548 : memref<64x768xf32, #tpu.memory_space<hbm>>)
    %dma_wait3A_549 = arith.constant 0 : i32
    %dma_wait3A_550 = arith.constant 0 : i32
    %dma_wait3A_551 = tpu.memref_slice %arg3[%dma_wait3A_549, %dma_wait3A_550] : memref<32768x768xf32, #tpu.memory_space<hbm>> -> memref<32768x768xf32, #tpu.memory_space<hbm>>
    tpu.wait_indirect_dma semaphore(%arg17 : memref<!tpu.dma_semaphore, #tpu.memory_space<semaphore_mem>>) src(%arg4 : memref<64x768xf32, #tpu.memory_space<vmem>>) dst(%dma_wait3A_551 : memref<32768x768xf32, #tpu.memory_space<hbm>>)
    %dma_wait3A_552 = arith.constant 0 : i32
    %dma_wait3A_553 = tpu.memref_slice %arg3[%add3A_471, %dma_wait3A_552] : memref<32768x768xf32, #tpu.memory_space<hbm>> -> memref<64x768xf32, #tpu.memory_space<hbm>>
    %dma_wait3A_554 = arith.constant 0 : i32
    %dma_wait3A_555 = tpu.memref_slice %arg3[%add3A_471, %dma_wait3A_554] : memref<32768x768xf32, #tpu.memory_space<hbm>> -> memref<64x768xf32, #tpu.memory_space<hbm>>
    tpu.wait_dma2 semaphore(%arg17 : memref<!tpu.dma_semaphore, #tpu.memory_space<semaphore_mem>>) src(%arg4 : memref<64x768xf32, #tpu.memory_space<vmem>>) dst(%dma_wait3A_555 : memref<64x768xf32, #tpu.memory_space<hbm>>)
    %dma_wait3A_556 = arith.constant 0 : i32
    %dma_wait3A_557 = arith.constant 0 : i32
    %dma_wait3A_558 = tpu.memref_slice %arg3[%dma_wait3A_556, %dma_wait3A_557] : memref<32768x768xf32, #tpu.memory_space<hbm>> -> memref<32768x768xf32, #tpu.memory_space<hbm>>
    tpu.wait_indirect_dma semaphore(%arg17 : memref<!tpu.dma_semaphore, #tpu.memory_space<semaphore_mem>>) src(%arg5 : memref<64x768xf32, #tpu.memory_space<vmem>>) dst(%dma_wait3A_558 : memref<32768x768xf32, #tpu.memory_space<hbm>>)
    %dma_wait3A_559 = arith.constant 0 : i32
    %dma_wait3A_560 = tpu.memref_slice %arg3[%add3A_488, %dma_wait3A_559] : memref<32768x768xf32, #tpu.memory_space<hbm>> -> memref<64x768xf32, #tpu.memory_space<hbm>>
    %dma_wait3A_561 = arith.constant 0 : i32
    %dma_wait3A_562 = tpu.memref_slice %arg3[%add3A_488, %dma_wait3A_561] : memref<32768x768xf32, #tpu.memory_space<hbm>> -> memref<64x768xf32, #tpu.memory_space<hbm>>
    tpu.wait_dma2 semaphore(%arg17 : memref<!tpu.dma_semaphore, #tpu.memory_space<semaphore_mem>>) src(%arg5 : memref<64x768xf32, #tpu.memory_space<vmem>>) dst(%dma_wait3A_562 : memref<64x768xf32, #tpu.memory_space<hbm>>)
    %dma_wait3A_563 = arith.constant 0 : i32
    %dma_wait3A_564 = arith.constant 0 : i32
    %dma_wait3A_565 = tpu.memref_slice %arg3[%dma_wait3A_563, %dma_wait3A_564] : memref<32768x768xf32, #tpu.memory_space<hbm>> -> memref<32768x768xf32, #tpu.memory_space<hbm>>
    tpu.wait_indirect_dma semaphore(%arg17 : memref<!tpu.dma_semaphore, #tpu.memory_space<semaphore_mem>>) src(%arg5 : memref<64x768xf32, #tpu.memory_space<vmem>>) dst(%dma_wait3A_565 : memref<32768x768xf32, #tpu.memory_space<hbm>>)
    %dma_wait3A_566 = arith.constant 0 : i32
    %dma_wait3A_567 = tpu.memref_slice %arg3[%add3A_499, %dma_wait3A_566] : memref<32768x768xf32, #tpu.memory_space<hbm>> -> memref<64x768xf32, #tpu.memory_space<hbm>>
    %dma_wait3A_568 = arith.constant 0 : i32
    %dma_wait3A_569 = tpu.memref_slice %arg3[%add3A_499, %dma_wait3A_568] : memref<32768x768xf32, #tpu.memory_space<hbm>> -> memref<64x768xf32, #tpu.memory_space<hbm>>
    tpu.wait_dma2 semaphore(%arg17 : memref<!tpu.dma_semaphore, #tpu.memory_space<semaphore_mem>>) src(%arg5 : memref<64x768xf32, #tpu.memory_space<vmem>>) dst(%dma_wait3A_569 : memref<64x768xf32, #tpu.memory_space<hbm>>)
    %dma_wait3A_570 = arith.constant 0 : i32
    %dma_wait3A_571 = arith.constant 0 : i32
    %dma_wait3A_572 = tpu.memref_slice %arg3[%dma_wait3A_570, %dma_wait3A_571] : memref<32768x768xf32, #tpu.memory_space<hbm>> -> memref<32768x768xf32, #tpu.memory_space<hbm>>
    tpu.wait_indirect_dma semaphore(%arg17 : memref<!tpu.dma_semaphore, #tpu.memory_space<semaphore_mem>>) src(%arg5 : memref<64x768xf32, #tpu.memory_space<vmem>>) dst(%dma_wait3A_572 : memref<32768x768xf32, #tpu.memory_space<hbm>>)
    %dma_wait3A_573 = arith.constant 0 : i32
    %dma_wait3A_574 = tpu.memref_slice %arg3[%add3A_510, %dma_wait3A_573] : memref<32768x768xf32, #tpu.memory_space<hbm>> -> memref<64x768xf32, #tpu.memory_space<hbm>>
    %dma_wait3A_575 = arith.constant 0 : i32
    %dma_wait3A_576 = tpu.memref_slice %arg3[%add3A_510, %dma_wait3A_575] : memref<32768x768xf32, #tpu.memory_space<hbm>> -> memref<64x768xf32, #tpu.memory_space<hbm>>
    tpu.wait_dma2 semaphore(%arg17 : memref<!tpu.dma_semaphore, #tpu.memory_space<semaphore_mem>>) src(%arg5 : memref<64x768xf32, #tpu.memory_space<vmem>>) dst(%dma_wait3A_576 : memref<64x768xf32, #tpu.memory_space<hbm>>)
    %dma_wait3A_577 = arith.constant 0 : i32
    %dma_wait3A_578 = arith.constant 0 : i32
    %dma_wait3A_579 = tpu.memref_slice %arg3[%dma_wait3A_577, %dma_wait3A_578] : memref<32768x768xf32, #tpu.memory_space<hbm>> -> memref<32768x768xf32, #tpu.memory_space<hbm>>
    tpu.wait_indirect_dma semaphore(%arg17 : memref<!tpu.dma_semaphore, #tpu.memory_space<semaphore_mem>>) src(%arg5 : memref<64x768xf32, #tpu.memory_space<vmem>>) dst(%dma_wait3A_579 : memref<32768x768xf32, #tpu.memory_space<hbm>>)
    %dma_wait3A_580 = arith.constant 0 : i32
    %dma_wait3A_581 = tpu.memref_slice %arg3[%add3A_521, %dma_wait3A_580] : memref<32768x768xf32, #tpu.memory_space<hbm>> -> memref<64x768xf32, #tpu.memory_space<hbm>>
    %dma_wait3A_582 = arith.constant 0 : i32
    %dma_wait3A_583 = tpu.memref_slice %arg3[%add3A_521, %dma_wait3A_582] : memref<32768x768xf32, #tpu.memory_space<hbm>> -> memref<64x768xf32, #tpu.memory_space<hbm>>
    tpu.wait_dma2 semaphore(%arg17 : memref<!tpu.dma_semaphore, #tpu.memory_space<semaphore_mem>>) src(%arg5 : memref<64x768xf32, #tpu.memory_space<vmem>>) dst(%dma_wait3A_583 : memref<64x768xf32, #tpu.memory_space<hbm>>)
    return
  }
}

</mosaic_0001>

<sc_bundles>
// kernel: kernel.3.cloned.1.call-start
scs
__scs_entry_jumppad:
0x0: {  	(pc) =	sbr.rel $0x88, $3  }
0x1: {  	(tag) =	ssettag $0x0;
	lr =	simm.s32 $0x1  }
0x2: {  	[smem:$0x3FA0] =	sst lr;
	_ =	strace $0xD0000000  }
0x3: {  	_ = 	snop  }
0x4: {  	_ = 	snop  }
0x5: {  	_ = 	snop  }
0x6: {  	_ = 	snop  }
0x7: {  	_ = 	snop  }
__scs_overlays_trampoline_lowered:
0x8: {  	[smem:$0x3FAF] =	sst s0  }
0x9: {  	[smem:$0x3FB0] =	sst s1  }
0xa: {  	[smem:$0x3FB1] =	sst s2  }
0xb: {  	[smem:$0x3FB2] =	sst s3  }
0xc: {  	[smem:$0x3FB3] =	sst s4  }
0xd: {  	[smem:$0x3FB4] =	sst s5  }
0xe: {  	[smem:$0x3FB5] =	sst s6  }
0xf: {  	[smem:$0x3FB6] =	sst s7  }
0x10: {  	[smem:$0x3FB7] =	sst s8  }
0x11: {  	[smem:$0x3FB8] =	sst s9;
	s0 =	simm.s32 @!p0 $0x0  }
0x12: {  	s1 =	sld [smem:$0x3F9E];
	s0 =	simm.s32 @p0 $0x1  }
0x13: {  	[smem:$0x3FB9] =	sst s0;
	s0 =	simm.s32 @!p1 $0x0  }
0x14: {  	s2 =	sld [smem:$0x3F9D];
	s0 =	simm.s32 @p1 $0x1  }
0x15: {  	[smem:$0x3FBA] =	sst s0;
	s0 =	simm.s32 @!p2 $0x0  }
0x16: {  	s3 =	sld [smem:$0x3FDB];
	s0 =	simm.s32 @p2 $0x1  }
0x17: {  	s4 =	simm.s32 $0x1BF5;
	[smem:$0x3FBC] =	sst s0  }
0x18: {  	s0 =	sld [smem:$0x3F9F];
	_ =	swait.ge [sflag:s4], $0x0  }
0x19: {  	s7 =	sld [smem:$0x3FA0]  }
0x1a: {  	s8 =	sadd.s32 $0xFFFFE003, lr  }
0x1b: {  	s9 =	sadd.s32 $0xFFFFFEF7, lr;
	s5 =	simm.s32 $0xFFFFFFFF;
	p2 =	slt.u32 s8, $0xFFFFF086  }
0x1c: {  	p1 =	slt.u32 s9, $0xF7A;
	s5 =	simm.s32 @!p2 $0x0  }
0x1d: {  	s5 =	simm.s32 @p1 $0x1;
	p0 =	seq.s32 s7, s2  }
0x1e: {  	s7 =	smul.u32 @!p0 $0xF7A, s2;
	p2 =	seq.s32 @!p0 s5, $0x0  }
0x1f: {  	s9 =	smul.u32 $0xF7A, s1;
	s8 =	simm.s32 @!p0 $0x1BF5;
	p2 =	por !p2, p0  }
0x20: {  	[sflag:s8] =	ssyncset.s32 @!p0 $0xFFFFF086;
	s6 =	sadd.s32 @!p0 s3, s7;
	s7 =	simm.s32 @!p0 $0x108  }
0x21: {  	s3 =	sadd.s32 s3, s9;
	s6 =	sadd.s32 @!p0 $0x88, s6;
	s7 =	simm.s32 @p2 $0x1082  }
0x22: {  	[simem:s7], [sflag:s8] =	dma.local @!p0 [hbm:s6], $0xF7A  }
0x23: {  	s9 =	sor.u32 $0xD0000000, s2;
	s6 =	simm.s32 $0x108;
	_ =	swait.ge @!p0 [sflag:s8], $0x0  }
0x24: {  	s3 =	sadd.s32 $0x88, s3;
	s6 =	simm.s32 @!p1 $0x1082;
	[sflag:s4] =	ssyncset.s32 $0xFFFFF086  }
0x25: {  	[simem:s6], [sflag:s4] =	dma.local [hbm:s3], $0xF7A  }
0x26: {  	[smem:$0x3FA0] =	sst s1;
	(tag) =	ssettag s2;
	_ =	strace s9  }
0x27: {  	s1 =	sld [smem:$0x3FB0]  }
0x28: {  	s2 =	sld [smem:$0x3FB1]  }
0x29: {  	s4 =	sld [smem:$0x3FB3]  }
0x2a: {  	p0 =	seq.s32 s5, $0x0;
	s5 =	sld [smem:$0x3FB4]  }
0x2b: {  	s6 =	sld [smem:$0x3FB5]  }
0x2c: {  	s7 =	sld [smem:$0x3FB6]  }
0x2d: {  	s3 =	simm.s32 $0x108;
	s8 =	sld [smem:$0x3FB7]  }
0x2e: {  	s3 =	simm.s32 @!p0 $0x1082;
	s9 =	sld [smem:$0x3FB8]  }
0x2f: {  	lr =	sadd.s32 s0, s3;
	s0 =	sld [smem:$0x3FAF]  }
0x30: {  	s3 =	sld [smem:$0x3FB2]  }
0x31: {  	[smem:$0x3FBB] =	sst s10  }
0x32: {  	s10 =	sld [smem:$0x3FB9];
	_ =	sdelay $0x3  }
0x33: {  	p0 =	seq.s32 s10, $0x1;
	s10 =	sld [smem:$0x3FBB];
	_ =	sdelay $0x3  }
0x34: {  	[smem:$0x3FBB] =	sst s10  }
0x35: {  	s10 =	sld [smem:$0x3FBA];
	_ =	sdelay $0x3  }
0x36: {  	p1 =	seq.s32 s10, $0x1;
	s10 =	sld [smem:$0x3FBB];
	_ =	sdelay $0x3  }
0x37: {  	[smem:$0x3FBB] =	sst s10  }
0x38: {  	s10 =	sld [smem:$0x3FBC]  }
0x39: {  	_ = 	snop;
	(pc) =	sbr.ind lr, $3  }
0x3a: {  	_ = 	snop  }
0x3b: {  	_ = 	snop  }
0x3c: {  	p2 =	seq.s32 s10, $0x1;
	s10 =	sld [smem:$0x3FBB]  }
0x3d: {  	_ =	shalt  }
0x3e: {  	_ =	shalt  }
0x3f: {  	_ =	shalt  }
0x40: {  	_ =	shalt  }
0x41: {  	_ =	shalt  }
0x42: {  	_ =	shalt  }
0x43: {  	_ =	shalt  }
0x44: {  	_ =	shalt  }
0x45: {  	_ =	shalt  }
0x46: {  	_ =	shalt  }
0x47: {  	_ =	shalt  }
0x48: {  	_ =	shalt  }
0x49: {  	_ =	shalt  }
0x4a: {  	_ =	shalt  }
0x4b: {  	_ =	shalt  }
0x4c: {  	_ =	shalt  }
0x4d: {  	_ =	shalt  }
0x4e: {  	_ =	shalt  }
0x4f: {  	_ =	shalt  }
0x50: {  	_ =	shalt  }
0x51: {  	_ =	shalt  }
0x52: {  	_ =	shalt  }
0x53: {  	_ =	shalt  }
0x54: {  	_ =	shalt  }
0x55: {  	_ =	shalt  }
0x56: {  	_ =	shalt  }
0x57: {  	_ =	shalt  }
0x58: {  	_ =	shalt  }
0x59: {  	_ =	shalt  }
0x5a: {  	_ =	shalt  }
0x5b: {  	_ =	shalt  }
0x5c: {  	_ =	shalt  }
0x5d: {  	_ =	shalt  }
0x5e: {  	_ =	shalt  }
0x5f: {  	_ =	shalt  }
0x60: {  	_ =	shalt  }
0x61: {  	_ =	shalt  }
0x62: {  	_ =	shalt  }
0x63: {  	_ =	shalt  }
0x64: {  	_ =	shalt  }
0x65: {  	_ =	shalt  }
0x66: {  	_ =	shalt  }
0x67: {  	_ =	shalt  }
0x68: {  	_ =	shalt  }
0x69: {  	_ =	shalt  }
0x6a: {  	_ =	shalt  }
0x6b: {  	_ =	shalt  }
0x6c: {  	_ =	shalt  }
0x6d: {  	_ =	shalt  }
0x6e: {  	_ =	shalt  }
0x6f: {  	_ =	shalt  }
0x70: {  	_ =	shalt  }
0x71: {  	_ =	shalt  }
0x72: {  	_ =	shalt  }
0x73: {  	_ =	shalt  }
0x74: {  	_ =	shalt  }
0x75: {  	_ =	shalt  }
0x76: {  	_ =	shalt  }
0x77: {  	_ =	shalt  }
0x78: {  	_ =	shalt  }
0x79: {  	_ =	shalt  }
0x7a: {  	_ =	shalt  }
0x7b: {  	_ =	shalt  }
0x7c: {  	_ =	shalt  }
0x7d: {  	_ =	shalt  }
0x7e: {  	_ =	shalt  }
0x7f: {  	_ =	shalt  }
0x80: {  	_ =	shalt  }
0x81: {  	_ =	shalt  }
0x82: {  	_ =	shalt  }
0x83: {  	_ =	shalt  }
0x84: {  	_ =	shalt  }
0x85: {  	_ =	shalt  }
0x86: {  	_ =	shalt  }
0x87: {  	_ =	shalt  }
.Lfunc_end0:
.L_simem_size_0:
called_computation_lowered:
.L_overlay_start_0:
0x88: {  	s2 =	sld [smem:$0x3FD9]  }
0x89: {  	s3 =	sld [smem:$0x3FFE];
	_ =	sdelay $0x1  }
0x8a: {  	s1 =	srdreg.scid  }
0x8b: {  	s0 =	sand.u32 $0x1, s1  }
0x8c: {  	s18 =	sshll.u32 s0, $0xA;
	s2 =	sadd.s32 s3, s2  }
0x8d: {  	s2 =	sadd.s32 s2, s18  }
0x8e: {  	[smem:$0x3FC7] =	sst s2  }
0x8f: {  	_ = 	snop  }
0x90: {  	s2 =	sld [smem:$0x3FC9]  }
0x91: {  	s19 =	sld [smem:$0x3FD0];
	(tm) =	ssettm $0x1  }
0x92: {  	s4 =	sld [smem:$0x3FFB];
	_ =	sdelay $0x3  }
0x93: {  	_ =	strace s4  }
0x94: {  	s4 =	sld [smem:$0x3FFC];
	_ =	sdelay $0x3  }
0x95: {  	_ =	strace s4  }
0x96: {  	s4 =	sld [smem:$0x3FFD];
	_ =	sdelay $0x3  }
0x97: {  	_ =	strace s4  }
0x98: {  	_ =	strace $0x8FFFFFFF  }
0x99: {  	s20 =	sld [smem:$0x3FDB];
	_ =	sdelay $0x1  }
0x9a: {  	s5 =	simm.s32 $_scs_section_size  }
0x9b: {  	s6 =	simm.s32 $_size__tile_overlayer_lowered;
	s7 =	simm.s32 $_tile_overlayer_lowered  }
0x9c: {  	s23 =	simm.s32 $0x1BFF;
	s22 =	sshll.u32 s7, $0x1;
	s4 =	sadd.s32 s5, s20  }
0x9d: {  	s8 =	simm.s32 $0x0;
	s21 =	sshll.u32 s6, $0x1;
	s6 =	sadd.s32 s22, s4  }
0x9e: {  	[timem:s8], [sflag:s23] =	dma.local [hbm:s6], s21  }
0x9f: {  	_ =	swait.ge [sflag:s23], s21  }
0xa0: {  	s5 =	ssub.s32 $0x0, s21;
	[sflag:s23] =	ssyncset.done $0x0  }
0xa1: {  	[sflag:s23] =	ssyncadd.s32 s5;
	_ =	sdelay $0x1  }
0xa2: {  	s24 =	simm.s32 $0x1B8B  }
0xa3: {  	_ =	swait.ge [sflag:s24], $0x1  }
0xa4: {  	[sflag:s24] =	ssyncset.done $0x0  }
0xa5: {  	s25 =	simm.s32 $0x1B8E;
	[sflag:s24] =	ssyncadd.s32 $0xFFFFFFFF  }
0xa6: {  	s26 =	simm.s32 $execute0_lowered;
	[smem:$0x3FD2] =	sst s25  }
0xa7: {  	s5 =	sshll.u32 s26, $0x1;
	_ =	strace $0x80000046;
	[dreg:$0x1] =	wrdreg $0xFFFFFFFF  }
0xa8: {  	s28 =	simm.s32 $_size_execute0_lowered;
	s4 =	sadd.s32 s4, s5;
	[dreg:$0x0] =	wrdreg $0x0  }
0xa9: {  	s5 =	sshll.u32 s28, $0x1;
	[dreg:$0x2] =	wrdreg s4  }
0xaa: {  	[dreg:$0x3] =	wrdreg s5  }
0xab: {  	[dreg:$0x4] =	wrdreg $0xC0  }
0xac: {  	_ =	task [dreg:s8], $0x5FFFF  }
0xad: {  	[dreg:$0x1] =	wrdreg $0xFFFFFFFF  }
0xae: {  	[dreg:$0x0] =	wrdreg $0x60  }
0xaf: {  	[dreg:$0x2] =	wrdreg s2  }
0xb0: {  	[dreg:$0x3] =	wrdreg s19  }
0xb1: {  	[dreg:$0x4] =	wrdreg $0x9  }
0xb2: {  	_ =	task.clear_ibuf [dreg:s8], $0x5FFFF;
	_ =	strace $0x90000046  }
0xb3: {  	s29 =	simm.s32 $0x9;
	_ =	strace $0x80000048  }
0xb4: {  	_ =	swait.ge [sflag:s29], $0x1  }
0xb5: {  	[sflag:s29] =	ssyncadd.s32 $0xFFFFFFFF  }
0xb6: {  	_ =	strace $0x90000048  }
0xb7: {  	_ =	sfence  }
0xb8: {  	s30 =	sld [smem:$0x0];
	_ =	sdelay $0x2  }
0xb9: {  	s31 =	sshll.u32 s1, $0xD;
	s1 =	sshrl.u32 s1, $0x2  }
0xba: {  	s3 =	sand.u32 $0x4000, s31;
	s1 =	sadd.s32 s1, s30  }
0xbb: {  	s0 =	sor.u32 s3, s0;
	s1 =	sshll.u32 s1, $0x11  }
0xbc: {  	s0 =	sor.u32 s1, s0  }
0xbd: {  	s0 =	sadd.s32 $0x8F2B, s0  }
0xbe: {  	[sflag:s0] =	ssyncadd.remote.s32 $0x1  }
0xbf: {  	_ =	sfence.sel $0xFFFF  }
0xc0: {  	[dreg:$0x0] =	wrdreg $0xFFFFFFFF;
	(pc) =	sbr.abs _section_cstart, $3  }
0xc1: {  	[dreg:$0x1] =	wrdreg $0xFFFFFFFF  }
0xc2: {  	_ =	task.clear_ibuf [dreg:s8], $0x2FFFF;
	_ =	strace $0x9FFFFFFF  }
0xc3: {  	(tm) =	ssettm $0x7FFFFFFF  }
tec
execute0_lowered:
.L_overlay_start_1:
0x0: {  	(tag) =	ssettag $0x1  }
0x1: {  	s0 =	srdreg.scid;
	s8 =	rddreg [dreg:$0x0]  }
0x2: {  	s11 =	stileid.u32;
	s3 =	rddreg [dreg:$0x1];
	s4 =	simm.s32 $0x0  }
0x3: {  	s0 =	sand.u32 $0x1, s0;
	s1 =	sshll.u32 s11, $0x1;
	[smem:$0x7FF] =	sst s4  }
0x4: {  	p0 =	sgt.u32 s11, $0x1;
	s11 =	sadd.s32 $0x100, s8;
	s5 =	sor.u32 s0, s1  }
0x5: {  	_ =	strace $0x80000047;
	[dreg:$0xd] =	wrdreg s11;
	s1 =	smul.u32 $0x18000, s5  }
0x6: {  	s6 =	smul.u32 $0x3000, s5;
	s10 =	sshll.u32 s5, $0x7;
	s5 =	sshll.u32 s5, $0xD  }
0x7: {  	v35 =	vlaneseq.u32;
	s14 =	sxor.u32 $0x4FF0, s10;
	[dreg:$0xf] =	wrdreg s5  }
0x8: {  	v31 =	vmul.u32 $0xFFFFFFFF, v35;
	s12 =	sxor.u32 $0x4FE0, s10;
	[dreg:$0x15] =	wrdreg s14  }
0x9: {  	s31 =	sxor.u32 $0x6FD0, s10;
	[dreg:$0x16] =	wrdreg s12  }
0xa: {  	s2 =	sadd.s32 s8, s6;
	v15 =	vadd.s32 s31, v31;
	s31 =	rddreg [dreg:$0xf]  }
0xb: {  	s13 =	sadd.s32 s6, s3;
	s6 =	sxor.u32 $0x4FB0, s10;
	[dreg:$0x3] =	wrdreg s2  }
0xc: {  	s0 =	ssub.s32 $0x2, s0;
	s21 =	sxor.u32 $0x2FD0, s10;
	[dreg:$0x17] =	wrdreg s6  }
0xd: {  	s7 =	sshrl.u32 s0, $0x1;
	s22 =	sxor.u32 $0x2FE0, s10;
	v7 =	vadd.s32 s21, v31;
	s21 =	rddreg [dreg:$0x15]  }
0xe: {  	s7 =	ssub.s32 s0, s7;
	v6 =	vadd.s32 s22, v31;
	s15 =	sadd.s32 $0x60000, s13;
	s22 =	rddreg [dreg:$0x16]  }
0xf: {  	s9 =	ssub.s32 $0x1000, s10;
	s16 =	sadd.s32 $0x120000, s13;
	[dreg:$0x5] =	wrdreg s15  }
0x10: {  	s28 =	sxor.u32 $0xFD0, s10;
	s18 =	sadd.s32 $0x1E0000, s13;
	[dreg:$0x6] =	wrdreg s16  }
0x11: {  	s29 =	ssub.s32 $0x3000, s10;
	s19 =	sadd.s32 $0x2A0000, s13;
	[dreg:$0x7] =	wrdreg s18  }
0x12: {  	s30 =	sxor.u32 $0x2FF0, s10;
	s24 =	sadd.s32 $0x61800, s13;
	[dreg:$0x8] =	wrdreg s19  }
0x13: {  	s20 =	ssub.s32 $0x5000, s10;
	s25 =	sadd.s32 $0x121800, s13;
	[dreg:$0x9] =	wrdreg s24  }
0x14: {  	s17 =	sxor.u32 $0x4FD0, s10;
	s26 =	sadd.s32 $0x1E1800, s13;
	[dreg:$0xa] =	wrdreg s25  }
0x15: {  	s23 =	ssub.s32 $0x7000, s10;
	s0 =	sadd.s32 $0x2A1800, s13;
	[dreg:$0xb] =	wrdreg s26  }
0x16: {  	s1 =	sshrl.u32 s1, $0x3;
	s6 =	sxor.u32 $0x4FA0, s10;
	[dreg:$0xc] =	wrdreg s0  }
0x17: {  	s12 =	sxor.u32 $0xFC0, s10;
	s1 =	sadd.s32 s8, s1;
	[dreg:$0x18] =	wrdreg s6  }
0x18: {  	s14 =	sxor.u32 $0xF90, s10;
	v12 =	vadd.s32 s23, v31;
	s1 =	sadd.s32 $0x1800, s1;
	s23 =	rddreg [dreg:$0x17]  }
0x19: {  	s2 =	sxor.u32 $0xFE0, s10;
	s6 =	sxor.u32 $0x4F90, s10;
	[dreg:$0x4] =	wrdreg s1  }
0x1a: {  	vm0 =	vmmov $0xffff;
	v34 =	vshrl.u32 v35, $0x3;
	s13 =	sxor.u32 $0xFA0, s10;
	s24 =	sxor.u32 $0x4FC0, s10;
	[dreg:$0x12] =	wrdreg s6  }
0x1b: {  	v33 =	vand.u32 $0x7, v35;
	v34 =	vmul.u32 $0x8, v34;
	s18 =	sxor.u32 $0x6FF0, s10;
	s6 =	sxor.u32 $0x6FC0, s10;
	v24 =	vadd.s32 s24, v31;
	s24 =	rddreg [dreg:$0x18]  }
0x1c: {  	vm1 =	vmmov @!p0 $0xffff;
	v0 =	vadd.s32 s9, v31;
	v3 =	vadd.s32 s28, v31;
	s16 =	sxor.u32 $0x6FE0, s10;
	s25 =	sxor.u32 $0x2FA0, s10;
	[dreg:$0x13] =	wrdreg s6  }
0x1d: {  	v4 =	vadd.s32 s29, v31;
	v5 =	vadd.s32 s30, v31;
	s0 =	sxor.u32 $0xFB0, s10;
	v22 =	vadd.s32 s25, v31;
	s6 =	sxor.u32 $0x6FB0, s10;
	s25 =	rddreg [dreg:$0x12]  }
0x1e: {  	v8 =	vadd.s32 s20, v31;
	v11 =	vadd.s32 s17, v31;
	v16 =	vadd.s32 s12, v31;
	s15 =	sxor.u32 $0x2FC0, s10;
	s26 =	sxor.u32 $0x2F90, s10;
	[dreg:$0x14] =	wrdreg s6  }
0x1f: {  	v19 =	vadd.s32 s14, v31;
	v32 =	vor.u32 s31, v35;
	s19 =	sxor.u32 $0x2FB0, s10;
	v23 =	vadd.s32 s26, v31;
	s6 =	sxor.u32 $0x6FA0, s10;
	s26 =	rddreg [dreg:$0x13]  }
0x20: {  	v35 =	vor.u32 $0x8, v35;
	v2 =	vadd.s32 s2, v31;
	v9 =	vadd.s32 s21, v31;
	s1 =	sxor.u32 $0xFF0, s10;
	s10 =	sxor.u32 $0x6F90, s10;
	[dreg:$0x10] =	wrdreg s6  }
0x21: {  	v10 =	vadd.s32 s22, v31;
	v18 =	vadd.s32 s13, v31;
	v13 =	vadd.s32 s18, v31;
	[dreg:$0x11] =	wrdreg s10  }
0x22: {  	v14 =	vadd.s32 s16, v31;
	v17 =	vadd.s32 s0, v31;
	v20 =	vadd.s32 s15, v31;
	s28 =	rddreg [dreg:$0x14]  }
0x23: {  	s5 =	smax.u32 s7, $0x1;
	v21 =	vadd.s32 s19, v31;
	v25 =	vadd.s32 s23, v31;
	v1 =	vadd.s32 s1, v31;
	s29 =	rddreg [dreg:$0x10]  }
0x24: {  	s7 =	sadd.s32 $0x200, s3;
	s8 =	sadd.s32 $0x200, s8;
	v26 =	vadd.s32 s24, v31;
	v27 =	vadd.s32 s25, v31;
	v28 =	vadd.s32 s26, v31;
	s30 =	rddreg [dreg:$0x11]  }
0x25: {  	s12 =	simm.s32 $0x1;
	[dreg:$0xe] =	wrdreg s8;
	s6 =	sadd.s32 $0x100, s3;
	v29 =	vadd.s32 s28, v31;
	v30 =	vadd.s32 s29, v31;
	v31 =	vadd.s32 s30, v31  }
.LBB2_1:
0x26: {  	s8 =	rddreg [dreg:$0x3]  }
0x27: {  	[tilespmem:s4], [sflag:$0x3] =	stream.linear.gather [hbm4b:s8+s4], $0xC000, $0x38;
	[tilespmem:$0x1B500] =	vst v63  }
0x28: {  	s13 =	rddreg [dreg:$0x4];
	s0 =	simm.s32 $0xC000  }
0x29: {  	[tilespmem:s0], [sflag:$0x3] =	stream.linear.gather [hbm4b:s13+s4], $0xC000, $0x38;
	[tilespmem:$0x1B500] =	vst v63  }
0x2a: {  	[tilespmem:$0x18000] =	vst v0  }
0x2b: {  	[tilespmem:$0x18010] =	vst v1  }
0x2c: {  	[tilespmem:$0x18020] =	vst v2  }
0x2d: {  	[tilespmem:$0x18030] =	vst v3  }
0x2e: {  	[tilespmem:$0x18080] =	vst v4  }
0x2f: {  	[tilespmem:$0x18090] =	vst v5  }
0x30: {  	[tilespmem:$0x180A0] =	vst v6  }
0x31: {  	[tilespmem:$0x180B0] =	vst v7  }
0x32: {  	[tilespmem:$0x18100] =	vst v8  }
0x33: {  	[tilespmem:$0x18110] =	vst v9  }
0x34: {  	[tilespmem:$0x18120] =	vst v10  }
0x35: {  	[tilespmem:$0x18130] =	vst v11  }
0x36: {  	[tilespmem:$0x18180] =	vst v12  }
0x37: {  	[tilespmem:$0x18190] =	vst v13  }
0x38: {  	[tilespmem:$0x181A0] =	vst v14  }
0x39: {  	[tilespmem:$0x181B0] =	vst v15  }
0x3a: {  	[tilespmem:$0x18200] =	vst v16  }
0x3b: {  	[tilespmem:$0x18210] =	vst v17  }
0x3c: {  	[tilespmem:$0x18220] =	vst v18  }
0x3d: {  	[tilespmem:$0x18230] =	vst v19  }
0x3e: {  	[tilespmem:$0x18280] =	vst v20  }
0x3f: {  	[tilespmem:$0x18290] =	vst v21  }
0x40: {  	[tilespmem:$0x182A0] =	vst v22  }
0x41: {  	[tilespmem:$0x182B0] =	vst v23  }
0x42: {  	[tilespmem:$0x18300] =	vst v24  }
0x43: {  	[tilespmem:$0x18310] =	vst v25  }
0x44: {  	[tilespmem:$0x18320] =	vst v26  }
0x45: {  	[tilespmem:$0x18330] =	vst v27  }
0x46: {  	[tilespmem:$0x18380] =	vst v28  }
0x47: {  	[tilespmem:$0x18390] =	vst v29  }
0x48: {  	[tilespmem:$0x183A0] =	vst v30  }
0x49: {  	s10 =	simm.s32 $0x3;
	[tilespmem:$0x183B0] =	vst v31  }
0x4a: {  	_ =	swait.ge [sflag:s10], $0xC000  }
0x4b: {  	[sflag:s10] =	ssyncset.done $0x0  }
0x4c: {  	[sflag:s10] =	ssyncadd.s32 $0xFFFF4000  }
0x4d: {  	v36 =	vld [tilespmem:$0x18000];
	_ =	sdelay $0x4  }
0x4e: {  	v37 =	vshrl.u32 v36, $0x3  }
0x4f: {  	v37 =	vmul.u32 $0x30, v37  }
0x50: {  	v36 =	vand.u32 $0x7, v36  }
0x51: {  	v36 =	vor.u32 v36, v37  }
0x52: {  	v37 =	vperm.xlane v36, v33;
	_ =	sdelay $0x1  }
0x53: {  	v37 =	vadd.s32 v34, v37;
	_ =	sdelay $0x3  }
0x54: {  	v36 =	vperm.xlane v36, v35  }
0x55: {  	[hbm4b:s3+s4] =	stream.indirect_vreg.scatter [tilespmem:s4], [sflag:$0x1], $0x80, v37, vm0, $0xb8;
	[tilespmem:$0x1B500] =	vst v63  }
0x56: {  	s9 =	simm.s32 $0x800;
	v36 =	vadd.s32 v34, v36  }
0x57: {  	[hbm4b:s6+s4] =	stream.indirect_vreg.scatter [tilespmem:s9], [sflag:$0x1], $0x80, v37, vm0, $0xb8;
	[tilespmem:$0x1B500] =	vst v63  }
0x58: {  	s13 =	simm.s32 $0x1000  }
0x59: {  	[hbm4b:s7+s4] =	stream.indirect_vreg.scatter [tilespmem:s13], [sflag:$0x1], $0x80, v37, vm0, $0xb8;
	[tilespmem:$0x1B500] =	vst v63  }
0x5a: {  	s14 =	simm.s32 $0x1800  }
0x5b: {  	[hbm4b:s3+s4] =	stream.indirect_vreg.scatter [tilespmem:s14], [sflag:$0x1], $0x80, v36, vm0, $0xb8;
	[tilespmem:$0x1B500] =	vst v63  }
0x5c: {  	s15 =	simm.s32 $0x2000  }
0x5d: {  	[hbm4b:s6+s4] =	stream.indirect_vreg.scatter [tilespmem:s15], [sflag:$0x1], $0x80, v36, vm0, $0xb8;
	[tilespmem:$0x1B500] =	vst v63  }
0x5e: {  	s16 =	simm.s32 $0x2800  }
0x5f: {  	[hbm4b:s7+s4] =	stream.indirect_vreg.scatter [tilespmem:s16], [sflag:$0x1], $0x80, v36, vm0, $0xb8;
	[tilespmem:$0x1B500] =	vst v63  }
0x60: {  	v36 =	vld [tilespmem:$0x18010];
	_ =	sdelay $0x4  }
0x61: {  	v56 =	vshrl.u32 v36, $0x3  }
0x62: {  	v37 =	vmul.u32 $0x30, v56  }
0x63: {  	v36 =	vand.u32 $0x7, v36  }
0x64: {  	v36 =	vor.u32 v36, v37  }
0x65: {  	v37 =	vperm.xlane v36, v33;
	_ =	sdelay $0x1  }
0x66: {  	v37 =	vadd.s32 v34, v37;
	_ =	sdelay $0x3  }
0x67: {  	s17 =	simm.s32 $0x3000;
	v36 =	vperm.xlane v36, v35  }
0x68: {  	[hbm4b:s3+s4] =	stream.indirect_vreg.scatter [tilespmem:s17], [sflag:$0x1], $0x80, v37, vm0, $0xb8;
	[tilespmem:$0x1B500] =	vst v63  }
0x69: {  	s18 =	simm.s32 $0x3800;
	v36 =	vadd.s32 v34, v36  }
0x6a: {  	[hbm4b:s6+s4] =	stream.indirect_vreg.scatter [tilespmem:s18], [sflag:$0x1], $0x80, v37, vm0, $0xb8;
	[tilespmem:$0x1B500] =	vst v63  }
0x6b: {  	s19 =	simm.s32 $0x4000  }
0x6c: {  	[hbm4b:s7+s4] =	stream.indirect_vreg.scatter [tilespmem:s19], [sflag:$0x1], $0x80, v37, vm0, $0xb8;
	[tilespmem:$0x1B500] =	vst v63  }
0x6d: {  	s20 =	simm.s32 $0x4800  }
0x6e: {  	[hbm4b:s3+s4] =	stream.indirect_vreg.scatter [tilespmem:s20], [sflag:$0x1], $0x80, v36, vm0, $0xb8;
	[tilespmem:$0x1B500] =	vst v63  }
0x6f: {  	s21 =	simm.s32 $0x5000  }
0x70: {  	[hbm4b:s6+s4] =	stream.indirect_vreg.scatter [tilespmem:s21], [sflag:$0x1], $0x80, v36, vm0, $0xb8;
	[tilespmem:$0x1B500] =	vst v63  }
0x71: {  	s22 =	simm.s32 $0x5800  }
0x72: {  	[hbm4b:s7+s4] =	stream.indirect_vreg.scatter [tilespmem:s22], [sflag:$0x1], $0x80, v36, vm0, $0xb8;
	[tilespmem:$0x1B500] =	vst v63  }
0x73: {  	v36 =	vld [tilespmem:$0x18020];
	_ =	sdelay $0x4  }
0x74: {  	v57 =	vshrl.u32 v36, $0x3  }
0x75: {  	v37 =	vmul.u32 $0x30, v57  }
0x76: {  	v36 =	vand.u32 $0x7, v36  }
0x77: {  	v36 =	vor.u32 v36, v37  }
0x78: {  	v37 =	vperm.xlane v36, v33;
	_ =	sdelay $0x1  }
0x79: {  	v37 =	vadd.s32 v34, v37;
	_ =	sdelay $0x3  }
0x7a: {  	s23 =	simm.s32 $0x6000;
	v36 =	vperm.xlane v36, v35  }
0x7b: {  	[hbm4b:s3+s4] =	stream.indirect_vreg.scatter [tilespmem:s23], [sflag:$0x1], $0x80, v37, vm0, $0xb8;
	[tilespmem:$0x1B500] =	vst v63  }
0x7c: {  	s24 =	simm.s32 $0x6800;
	v36 =	vadd.s32 v34, v36  }
0x7d: {  	[hbm4b:s6+s4] =	stream.indirect_vreg.scatter [tilespmem:s24], [sflag:$0x1], $0x80, v37, vm0, $0xb8;
	[tilespmem:$0x1B500] =	vst v63  }
0x7e: {  	s25 =	simm.s32 $0x7000  }
0x7f: {  	[hbm4b:s7+s4] =	stream.indirect_vreg.scatter [tilespmem:s25], [sflag:$0x1], $0x80, v37, vm0, $0xb8;
	[tilespmem:$0x1B500] =	vst v63  }
0x80: {  	s26 =	simm.s32 $0x7800  }
0x81: {  	[hbm4b:s3+s4] =	stream.indirect_vreg.scatter [tilespmem:s26], [sflag:$0x1], $0x80, v36, vm0, $0xb8;
	[tilespmem:$0x1B500] =	vst v63  }
0x82: {  	s28 =	simm.s32 $0x8000  }
0x83: {  	[hbm4b:s6+s4] =	stream.indirect_vreg.scatter [tilespmem:s28], [sflag:$0x1], $0x80, v36, vm0, $0xb8;
	[tilespmem:$0x1B500] =	vst v63  }
0x84: {  	s29 =	simm.s32 $0x8800  }
0x85: {  	[hbm4b:s7+s4] =	stream.indirect_vreg.scatter [tilespmem:s29], [sflag:$0x1], $0x80, v36, vm0, $0xb8;
	[tilespmem:$0x1B500] =	vst v63  }
0x86: {  	v36 =	vld [tilespmem:$0x18030];
	_ =	sdelay $0x4  }
0x87: {  	v58 =	vshrl.u32 v36, $0x3  }
0x88: {  	v37 =	vmul.u32 $0x30, v58  }
0x89: {  	v36 =	vand.u32 $0x7, v36  }
0x8a: {  	v36 =	vor.u32 v36, v37  }
0x8b: {  	v37 =	vperm.xlane v36, v33;
	_ =	sdelay $0x1  }
0x8c: {  	v37 =	vadd.s32 v34, v37;
	_ =	sdelay $0x3  }
0x8d: {  	s30 =	simm.s32 $0x9000;
	v36 =	vperm.xlane v36, v35  }
0x8e: {  	[hbm4b:s3+s4] =	stream.indirect_vreg.scatter [tilespmem:s30], [sflag:$0x1], $0x80, v37, vm0, $0xb8;
	[tilespmem:$0x1B500] =	vst v63  }
0x8f: {  	s31 =	simm.s32 $0x9800;
	v36 =	vadd.s32 v34, v36  }
0x90: {  	[hbm4b:s6+s4] =	stream.indirect_vreg.scatter [tilespmem:s31], [sflag:$0x1], $0x80, v37, vm0, $0xb8;
	[tilespmem:$0x1B500] =	vst v63  }
0x91: {  	s1 =	simm.s32 $0xA000  }
0x92: {  	[hbm4b:s7+s4] =	stream.indirect_vreg.scatter [tilespmem:s1], [sflag:$0x1], $0x80, v37, vm0, $0xb8;
	[tilespmem:$0x1B500] =	vst v63  }
0x93: {  	s0 =	simm.s32 $0xA800  }
0x94: {  	[hbm4b:s3+s4] =	stream.indirect_vreg.scatter [tilespmem:s0], [sflag:$0x1], $0x80, v36, vm0, $0xb8;
	[tilespmem:$0x1B500] =	vst v63  }
0x95: {  	s2 =	simm.s32 $0xB000  }
0x96: {  	[hbm4b:s6+s4] =	stream.indirect_vreg.scatter [tilespmem:s2], [sflag:$0x1], $0x80, v36, vm0, $0xb8;
	[tilespmem:$0x1B500] =	vst v63  }
0x97: {  	s11 =	simm.s32 $0xB800  }
0x98: {  	[hbm4b:s7+s4] =	stream.indirect_vreg.scatter [tilespmem:s11], [sflag:$0x1], $0x80, v36, vm0, $0xb8;
	[tilespmem:$0x1B500] =	vst v63  }
0x99: {  	s8 =	rddreg [dreg:$0x5]  }
0x9a: {  	[hbm4b:s8+s4] =	stream.linear.scatter [tilespmem:s4], [sflag:$0x1], $0xC000, $0x38;
	[tilespmem:$0x1B500] =	vst v63  }
0x9b: {  	v36 =	vld [tilespmem:$0x18080];
	_ =	sdelay $0x4  }
0x9c: {  	v59 =	vshrl.u32 v36, $0x3  }
0x9d: {  	v37 =	vmul.u32 $0x30, v59  }
0x9e: {  	v36 =	vand.u32 $0x7, v36  }
0x9f: {  	v36 =	vor.u32 v36, v37  }
0xa0: {  	v37 =	vperm.xlane v36, v33;
	_ =	sdelay $0x1  }
0xa1: {  	v37 =	vadd.s32 v34, v37;
	_ =	sdelay $0x3  }
0xa2: {  	v36 =	vperm.xlane v36, v35  }
0xa3: {  	[hbm4b:s3+s4] =	stream.indirect_vreg.scatter [tilespmem:s4], [sflag:$0x1], $0x80, v37, vm0, $0xb8;
	[tilespmem:$0x1B500] =	vst v63  }
0xa4: {  	v36 =	vadd.s32 v34, v36  }
0xa5: {  	[hbm4b:s6+s4] =	stream.indirect_vreg.scatter [tilespmem:s9], [sflag:$0x1], $0x80, v37, vm0, $0xb8;
	[tilespmem:$0x1B500] =	vst v63  }
0xa6: {  	_ = 	snop  }
0xa7: {  	[hbm4b:s7+s4] =	stream.indirect_vreg.scatter [tilespmem:s13], [sflag:$0x1], $0x80, v37, vm0, $0xb8;
	[tilespmem:$0x1B500] =	vst v63  }
0xa8: {  	_ = 	snop  }
0xa9: {  	[hbm4b:s3+s4] =	stream.indirect_vreg.scatter [tilespmem:s14], [sflag:$0x1], $0x80, v36, vm0, $0xb8;
	[tilespmem:$0x1B500] =	vst v63  }
0xaa: {  	_ = 	snop  }
0xab: {  	[hbm4b:s6+s4] =	stream.indirect_vreg.scatter [tilespmem:s15], [sflag:$0x1], $0x80, v36, vm0, $0xb8;
	[tilespmem:$0x1B500] =	vst v63  }
0xac: {  	_ = 	snop  }
0xad: {  	[hbm4b:s7+s4] =	stream.indirect_vreg.scatter [tilespmem:s16], [sflag:$0x1], $0x80, v36, vm0, $0xb8;
	[tilespmem:$0x1B500] =	vst v63  }
0xae: {  	v36 =	vld [tilespmem:$0x18090];
	_ =	sdelay $0x4  }
0xaf: {  	v60 =	vshrl.u32 v36, $0x3  }
0xb0: {  	v37 =	vmul.u32 $0x30, v60  }
0xb1: {  	v36 =	vand.u32 $0x7, v36  }
0xb2: {  	v36 =	vor.u32 v36, v37  }
0xb3: {  	v37 =	vperm.xlane v36, v33;
	_ =	sdelay $0x1  }
0xb4: {  	v37 =	vadd.s32 v34, v37;
	_ =	sdelay $0x3  }
0xb5: {  	v36 =	vperm.xlane v36, v35  }
0xb6: {  	[hbm4b:s3+s4] =	stream.indirect_vreg.scatter [tilespmem:s17], [sflag:$0x1], $0x80, v37, vm0, $0xb8;
	[tilespmem:$0x1B500] =	vst v63  }
0xb7: {  	v36 =	vadd.s32 v34, v36  }
0xb8: {  	[hbm4b:s6+s4] =	stream.indirect_vreg.scatter [tilespmem:s18], [sflag:$0x1], $0x80, v37, vm0, $0xb8;
	[tilespmem:$0x1B500] =	vst v63  }
0xb9: {  	_ = 	snop  }
0xba: {  	[hbm4b:s7+s4] =	stream.indirect_vreg.scatter [tilespmem:s19], [sflag:$0x1], $0x80, v37, vm0, $0xb8;
	[tilespmem:$0x1B500] =	vst v63  }
0xbb: {  	_ = 	snop  }
0xbc: {  	[hbm4b:s3+s4] =	stream.indirect_vreg.scatter [tilespmem:s20], [sflag:$0x1], $0x80, v36, vm0, $0xb8;
	[tilespmem:$0x1B500] =	vst v63  }
0xbd: {  	_ = 	snop  }
0xbe: {  	[hbm4b:s6+s4] =	stream.indirect_vreg.scatter [tilespmem:s21], [sflag:$0x1], $0x80, v36, vm0, $0xb8;
	[tilespmem:$0x1B500] =	vst v63  }
0xbf: {  	_ = 	snop  }
0xc0: {  	[hbm4b:s7+s4] =	stream.indirect_vreg.scatter [tilespmem:s22], [sflag:$0x1], $0x80, v36, vm0, $0xb8;
	[tilespmem:$0x1B500] =	vst v63  }
0xc1: {  	v36 =	vld [tilespmem:$0x180A0];
	_ =	sdelay $0x4  }
0xc2: {  	v61 =	vshrl.u32 v36, $0x3  }
0xc3: {  	v37 =	vmul.u32 $0x30, v61  }
0xc4: {  	v36 =	vand.u32 $0x7, v36  }
0xc5: {  	v36 =	vor.u32 v36, v37  }
0xc6: {  	v37 =	vperm.xlane v36, v33;
	_ =	sdelay $0x1  }
0xc7: {  	v37 =	vadd.s32 v34, v37;
	_ =	sdelay $0x3  }
0xc8: {  	v36 =	vperm.xlane v36, v35  }
0xc9: {  	[hbm4b:s3+s4] =	stream.indirect_vreg.scatter [tilespmem:s23], [sflag:$0x1], $0x80, v37, vm0, $0xb8;
	[tilespmem:$0x1B500] =	vst v63  }
0xca: {  	v36 =	vadd.s32 v34, v36  }
0xcb: {  	[hbm4b:s6+s4] =	stream.indirect_vreg.scatter [tilespmem:s24], [sflag:$0x1], $0x80, v37, vm0, $0xb8;
	[tilespmem:$0x1B500] =	vst v63  }
0xcc: {  	_ = 	snop  }
0xcd: {  	[hbm4b:s7+s4] =	stream.indirect_vreg.scatter [tilespmem:s25], [sflag:$0x1], $0x80, v37, vm0, $0xb8;
	[tilespmem:$0x1B500] =	vst v63  }
0xce: {  	_ = 	snop  }
0xcf: {  	[hbm4b:s3+s4] =	stream.indirect_vreg.scatter [tilespmem:s26], [sflag:$0x1], $0x80, v36, vm0, $0xb8;
	[tilespmem:$0x1B500] =	vst v63  }
0xd0: {  	_ = 	snop  }
0xd1: {  	[hbm4b:s6+s4] =	stream.indirect_vreg.scatter [tilespmem:s28], [sflag:$0x1], $0x80, v36, vm0, $0xb8;
	[tilespmem:$0x1B500] =	vst v63  }
0xd2: {  	_ = 	snop  }
0xd3: {  	[hbm4b:s7+s4] =	stream.indirect_vreg.scatter [tilespmem:s29], [sflag:$0x1], $0x80, v36, vm0, $0xb8;
	[tilespmem:$0x1B500] =	vst v63  }
0xd4: {  	v36 =	vld [tilespmem:$0x180B0];
	_ =	sdelay $0x4  }
0xd5: {  	v62 =	vshrl.u32 v36, $0x3  }
0xd6: {  	v37 =	vmul.u32 $0x30, v62  }
0xd7: {  	v36 =	vand.u32 $0x7, v36  }
0xd8: {  	v36 =	vor.u32 v36, v37  }
0xd9: {  	v37 =	vperm.xlane v36, v33;
	_ =	sdelay $0x1  }
0xda: {  	v37 =	vadd.s32 v34, v37;
	_ =	sdelay $0x3  }
0xdb: {  	v36 =	vperm.xlane v36, v35  }
0xdc: {  	[hbm4b:s3+s4] =	stream.indirect_vreg.scatter [tilespmem:s30], [sflag:$0x1], $0x80, v37, vm0, $0xb8;
	[tilespmem:$0x1B500] =	vst v63  }
0xdd: {  	v36 =	vadd.s32 v34, v36  }
0xde: {  	[hbm4b:s6+s4] =	stream.indirect_vreg.scatter [tilespmem:s31], [sflag:$0x1], $0x80, v37, vm0, $0xb8;
	[tilespmem:$0x1B500] =	vst v63  }
0xdf: {  	_ = 	snop  }
0xe0: {  	[hbm4b:s7+s4] =	stream.indirect_vreg.scatter [tilespmem:s1], [sflag:$0x1], $0x80, v37, vm0, $0xb8;
	[tilespmem:$0x1B500] =	vst v63  }
0xe1: {  	_ = 	snop  }
0xe2: {  	[hbm4b:s3+s4] =	stream.indirect_vreg.scatter [tilespmem:s0], [sflag:$0x1], $0x80, v36, vm0, $0xb8;
	[tilespmem:$0x1B500] =	vst v63  }
0xe3: {  	_ = 	snop  }
0xe4: {  	[hbm4b:s6+s4] =	stream.indirect_vreg.scatter [tilespmem:s2], [sflag:$0x1], $0x80, v36, vm0, $0xb8;
	[tilespmem:$0x1B500] =	vst v63  }
0xe5: {  	_ = 	snop  }
0xe6: {  	[hbm4b:s7+s4] =	stream.indirect_vreg.scatter [tilespmem:s11], [sflag:$0x1], $0x80, v36, vm0, $0xb8;
	[tilespmem:$0x1B500] =	vst v63  }
0xe7: {  	s8 =	rddreg [dreg:$0x6]  }
0xe8: {  	[hbm4b:s8+s4] =	stream.linear.scatter [tilespmem:s4], [sflag:$0x1], $0xC000, $0x38;
	[tilespmem:$0x1B500] =	vst v63  }
0xe9: {  	v36 =	vld [tilespmem:$0x18100];
	_ =	sdelay $0x4  }
0xea: {  	v63 =	vshrl.u32 v36, $0x3  }
0xeb: {  	v37 =	vmul.u32 $0x30, v63  }
0xec: {  	v36 =	vand.u32 $0x7, v36  }
0xed: {  	v36 =	vor.u32 v36, v37  }
0xee: {  	v37 =	vperm.xlane v36, v33;
	_ =	sdelay $0x1  }
0xef: {  	v37 =	vadd.s32 v34, v37;
	_ =	sdelay $0x3  }
0xf0: {  	v36 =	vperm.xlane v36, v35  }
0xf1: {  	[hbm4b:s3+s4] =	stream.indirect_vreg.scatter [tilespmem:s4], [sflag:$0x1], $0x80, v37, vm0, $0xb8;
	[tilespmem:$0x1B500] =	vst v63  }
0xf2: {  	v36 =	vadd.s32 v34, v36  }
0xf3: {  	[hbm4b:s6+s4] =	stream.indirect_vreg.scatter [tilespmem:s9], [sflag:$0x1], $0x80, v37, vm0, $0xb8;
	[tilespmem:$0x1B500] =	vst v63  }
0xf4: {  	_ = 	snop  }
0xf5: {  	[hbm4b:s7+s4] =	stream.indirect_vreg.scatter [tilespmem:s13], [sflag:$0x1], $0x80, v37, vm0, $0xb8;
	[tilespmem:$0x1B500] =	vst v63  }
0xf6: {  	_ = 	snop  }
0xf7: {  	[hbm4b:s3+s4] =	stream.indirect_vreg.scatter [tilespmem:s14], [sflag:$0x1], $0x80, v36, vm0, $0xb8;
	[tilespmem:$0x1B500] =	vst v63  }
0xf8: {  	_ = 	snop  }
0xf9: {  	[hbm4b:s6+s4] =	stream.indirect_vreg.scatter [tilespmem:s15], [sflag:$0x1], $0x80, v36, vm0, $0xb8;
	[tilespmem:$0x1B500] =	vst v63  }
0xfa: {  	_ = 	snop  }
0xfb: {  	[hbm4b:s7+s4] =	stream.indirect_vreg.scatter [tilespmem:s16], [sflag:$0x1], $0x80, v36, vm0, $0xb8;
	[tilespmem:$0x1B500] =	vst v63  }
0xfc: {  	v36 =	vld [tilespmem:$0x18110];
	_ =	sdelay $0x4  }
0xfd: {  	v40 =	vshrl.u32 v36, $0x3  }
0xfe: {  	v37 =	vmul.u32 $0x30, v40  }
0xff: {  	v36 =	vand.u32 $0x7, v36  }
0x100: {  	v36 =	vor.u32 v36, v37  }
0x101: {  	v37 =	vperm.xlane v36, v33;
	_ =	sdelay $0x1  }
0x102: {  	v37 =	vadd.s32 v34, v37;
	_ =	sdelay $0x3  }
0x103: {  	v36 =	vperm.xlane v36, v35  }
0x104: {  	[hbm4b:s3+s4] =	stream.indirect_vreg.scatter [tilespmem:s17], [sflag:$0x1], $0x80, v37, vm0, $0xb8;
	[tilespmem:$0x1B500] =	vst v63  }
0x105: {  	v36 =	vadd.s32 v34, v36  }
0x106: {  	[hbm4b:s6+s4] =	stream.indirect_vreg.scatter [tilespmem:s18], [sflag:$0x1], $0x80, v37, vm0, $0xb8;
	[tilespmem:$0x1B500] =	vst v63  }
0x107: {  	_ = 	snop  }
0x108: {  	[hbm4b:s7+s4] =	stream.indirect_vreg.scatter [tilespmem:s19], [sflag:$0x1], $0x80, v37, vm0, $0xb8;
	[tilespmem:$0x1B500] =	vst v63  }
0x109: {  	_ = 	snop  }
0x10a: {  	[hbm4b:s3+s4] =	stream.indirect_vreg.scatter [tilespmem:s20], [sflag:$0x1], $0x80, v36, vm0, $0xb8;
	[tilespmem:$0x1B500] =	vst v63  }
0x10b: {  	_ = 	snop  }
0x10c: {  	[hbm4b:s6+s4] =	stream.indirect_vreg.scatter [tilespmem:s21], [sflag:$0x1], $0x80, v36, vm0, $0xb8;
	[tilespmem:$0x1B500] =	vst v63  }
0x10d: {  	_ = 	snop  }
0x10e: {  	[hbm4b:s7+s4] =	stream.indirect_vreg.scatter [tilespmem:s22], [sflag:$0x1], $0x80, v36, vm0, $0xb8;
	[tilespmem:$0x1B500] =	vst v63  }
0x10f: {  	v36 =	vld [tilespmem:$0x18120];
	_ =	sdelay $0x4  }
0x110: {  	v41 =	vshrl.u32 v36, $0x3  }
0x111: {  	v37 =	vmul.u32 $0x30, v41  }
0x112: {  	v36 =	vand.u32 $0x7, v36  }
0x113: {  	v36 =	vor.u32 v36, v37  }
0x114: {  	v37 =	vperm.xlane v36, v33;
	_ =	sdelay $0x1  }
0x115: {  	v37 =	vadd.s32 v34, v37;
	_ =	sdelay $0x3  }
0x116: {  	v36 =	vperm.xlane v36, v35  }
0x117: {  	[hbm4b:s3+s4] =	stream.indirect_vreg.scatter [tilespmem:s23], [sflag:$0x1], $0x80, v37, vm0, $0xb8;
	[tilespmem:$0x1B500] =	vst v63  }
0x118: {  	v36 =	vadd.s32 v34, v36  }
0x119: {  	[hbm4b:s6+s4] =	stream.indirect_vreg.scatter [tilespmem:s24], [sflag:$0x1], $0x80, v37, vm0, $0xb8;
	[tilespmem:$0x1B500] =	vst v63  }
0x11a: {  	_ = 	snop  }
0x11b: {  	[hbm4b:s7+s4] =	stream.indirect_vreg.scatter [tilespmem:s25], [sflag:$0x1], $0x80, v37, vm0, $0xb8;
	[tilespmem:$0x1B500] =	vst v63  }
0x11c: {  	_ = 	snop  }
0x11d: {  	[hbm4b:s3+s4] =	stream.indirect_vreg.scatter [tilespmem:s26], [sflag:$0x1], $0x80, v36, vm0, $0xb8;
	[tilespmem:$0x1B500] =	vst v63  }
0x11e: {  	_ = 	snop  }
0x11f: {  	[hbm4b:s6+s4] =	stream.indirect_vreg.scatter [tilespmem:s28], [sflag:$0x1], $0x80, v36, vm0, $0xb8;
	[tilespmem:$0x1B500] =	vst v63  }
0x120: {  	_ = 	snop  }
0x121: {  	[hbm4b:s7+s4] =	stream.indirect_vreg.scatter [tilespmem:s29], [sflag:$0x1], $0x80, v36, vm0, $0xb8;
	[tilespmem:$0x1B500] =	vst v63  }
0x122: {  	v36 =	vld [tilespmem:$0x18130];
	_ =	sdelay $0x4  }
0x123: {  	v42 =	vshrl.u32 v36, $0x3  }
0x124: {  	v37 =	vmul.u32 $0x30, v42  }
0x125: {  	v36 =	vand.u32 $0x7, v36  }
0x126: {  	v36 =	vor.u32 v36, v37  }
0x127: {  	v37 =	vperm.xlane v36, v33;
	_ =	sdelay $0x1  }
0x128: {  	v37 =	vadd.s32 v34, v37;
	_ =	sdelay $0x3  }
0x129: {  	v36 =	vperm.xlane v36, v35  }
0x12a: {  	[hbm4b:s3+s4] =	stream.indirect_vreg.scatter [tilespmem:s30], [sflag:$0x1], $0x80, v37, vm0, $0xb8;
	[tilespmem:$0x1B500] =	vst v63  }
0x12b: {  	v36 =	vadd.s32 v34, v36  }
0x12c: {  	[hbm4b:s6+s4] =	stream.indirect_vreg.scatter [tilespmem:s31], [sflag:$0x1], $0x80, v37, vm0, $0xb8;
	[tilespmem:$0x1B500] =	vst v63  }
0x12d: {  	_ = 	snop  }
0x12e: {  	[hbm4b:s7+s4] =	stream.indirect_vreg.scatter [tilespmem:s1], [sflag:$0x1], $0x80, v37, vm0, $0xb8;
	[tilespmem:$0x1B500] =	vst v63  }
0x12f: {  	_ = 	snop  }
0x130: {  	[hbm4b:s3+s4] =	stream.indirect_vreg.scatter [tilespmem:s0], [sflag:$0x1], $0x80, v36, vm0, $0xb8;
	[tilespmem:$0x1B500] =	vst v63  }
0x131: {  	_ = 	snop  }
0x132: {  	[hbm4b:s6+s4] =	stream.indirect_vreg.scatter [tilespmem:s2], [sflag:$0x1], $0x80, v36, vm0, $0xb8;
	[tilespmem:$0x1B500] =	vst v63  }
0x133: {  	_ = 	snop  }
0x134: {  	[hbm4b:s7+s4] =	stream.indirect_vreg.scatter [tilespmem:s11], [sflag:$0x1], $0x80, v36, vm0, $0xb8;
	[tilespmem:$0x1B500] =	vst v63  }
0x135: {  	s8 =	rddreg [dreg:$0x7]  }
0x136: {  	[hbm4b:s8+s4] =	stream.linear.scatter [tilespmem:s4], [sflag:$0x1], $0xC000, $0x38;
	[tilespmem:$0x1B500] =	vst v63  }
0x137: {  	v36 =	vld [tilespmem:$0x18180];
	_ =	sdelay $0x4  }
0x138: {  	v43 =	vshrl.u32 v36, $0x3  }
0x139: {  	v37 =	vmul.u32 $0x30, v43  }
0x13a: {  	v36 =	vand.u32 $0x7, v36  }
0x13b: {  	v36 =	vor.u32 v36, v37  }
0x13c: {  	v37 =	vperm.xlane v36, v33;
	_ =	sdelay $0x1  }
0x13d: {  	v37 =	vadd.s32 v34, v37;
	_ =	sdelay $0x3  }
0x13e: {  	v36 =	vperm.xlane v36, v35  }
0x13f: {  	[hbm4b:s3+s4] =	stream.indirect_vreg.scatter [tilespmem:s4], [sflag:$0x1], $0x80, v37, vm0, $0xb8;
	[tilespmem:$0x1B500] =	vst v63  }
0x140: {  	v36 =	vadd.s32 v34, v36  }
0x141: {  	[hbm4b:s6+s4] =	stream.indirect_vreg.scatter [tilespmem:s9], [sflag:$0x1], $0x80, v37, vm0, $0xb8;
	[tilespmem:$0x1B500] =	vst v63  }
0x142: {  	_ = 	snop  }
0x143: {  	[hbm4b:s7+s4] =	stream.indirect_vreg.scatter [tilespmem:s13], [sflag:$0x1], $0x80, v37, vm0, $0xb8;
	[tilespmem:$0x1B500] =	vst v63  }
0x144: {  	_ = 	snop  }
0x145: {  	[hbm4b:s3+s4] =	stream.indirect_vreg.scatter [tilespmem:s14], [sflag:$0x1], $0x80, v36, vm0, $0xb8;
	[tilespmem:$0x1B500] =	vst v63  }
0x146: {  	_ = 	snop  }
0x147: {  	[hbm4b:s6+s4] =	stream.indirect_vreg.scatter [tilespmem:s15], [sflag:$0x1], $0x80, v36, vm0, $0xb8;
	[tilespmem:$0x1B500] =	vst v63  }
0x148: {  	_ = 	snop  }
0x149: {  	[hbm4b:s7+s4] =	stream.indirect_vreg.scatter [tilespmem:s16], [sflag:$0x1], $0x80, v36, vm0, $0xb8;
	[tilespmem:$0x1B500] =	vst v63  }
0x14a: {  	v36 =	vld [tilespmem:$0x18190];
	_ =	sdelay $0x4  }
0x14b: {  	v44 =	vshrl.u32 v36, $0x3  }
0x14c: {  	v37 =	vmul.u32 $0x30, v44  }
0x14d: {  	v36 =	vand.u32 $0x7, v36  }
0x14e: {  	v36 =	vor.u32 v36, v37  }
0x14f: {  	v37 =	vperm.xlane v36, v33;
	_ =	sdelay $0x1  }
0x150: {  	v37 =	vadd.s32 v34, v37;
	_ =	sdelay $0x3  }
0x151: {  	v36 =	vperm.xlane v36, v35  }
0x152: {  	[hbm4b:s3+s4] =	stream.indirect_vreg.scatter [tilespmem:s17], [sflag:$0x1], $0x80, v37, vm0, $0xb8;
	[tilespmem:$0x1B500] =	vst v63  }
0x153: {  	v36 =	vadd.s32 v34, v36  }
0x154: {  	[hbm4b:s6+s4] =	stream.indirect_vreg.scatter [tilespmem:s18], [sflag:$0x1], $0x80, v37, vm0, $0xb8;
	[tilespmem:$0x1B500] =	vst v63  }
0x155: {  	_ = 	snop  }
0x156: {  	[hbm4b:s7+s4] =	stream.indirect_vreg.scatter [tilespmem:s19], [sflag:$0x1], $0x80, v37, vm0, $0xb8;
	[tilespmem:$0x1B500] =	vst v63  }
0x157: {  	_ = 	snop  }
0x158: {  	[hbm4b:s3+s4] =	stream.indirect_vreg.scatter [tilespmem:s20], [sflag:$0x1], $0x80, v36, vm0, $0xb8;
	[tilespmem:$0x1B500] =	vst v63  }
0x159: {  	_ = 	snop  }
0x15a: {  	[hbm4b:s6+s4] =	stream.indirect_vreg.scatter [tilespmem:s21], [sflag:$0x1], $0x80, v36, vm0, $0xb8;
	[tilespmem:$0x1B500] =	vst v63  }
0x15b: {  	_ = 	snop  }
0x15c: {  	[hbm4b:s7+s4] =	stream.indirect_vreg.scatter [tilespmem:s22], [sflag:$0x1], $0x80, v36, vm0, $0xb8;
	[tilespmem:$0x1B500] =	vst v63  }
0x15d: {  	v36 =	vld [tilespmem:$0x181A0];
	_ =	sdelay $0x4  }
0x15e: {  	v45 =	vshrl.u32 v36, $0x3  }
0x15f: {  	v37 =	vmul.u32 $0x30, v45  }
0x160: {  	v36 =	vand.u32 $0x7, v36  }
0x161: {  	v36 =	vor.u32 v36, v37  }
0x162: {  	v37 =	vperm.xlane v36, v33;
	_ =	sdelay $0x1  }
0x163: {  	v37 =	vadd.s32 v34, v37;
	_ =	sdelay $0x3  }
0x164: {  	v36 =	vperm.xlane v36, v35  }
0x165: {  	[hbm4b:s3+s4] =	stream.indirect_vreg.scatter [tilespmem:s23], [sflag:$0x1], $0x80, v37, vm0, $0xb8;
	[tilespmem:$0x1B500] =	vst v63  }
0x166: {  	v36 =	vadd.s32 v34, v36  }
0x167: {  	[hbm4b:s6+s4] =	stream.indirect_vreg.scatter [tilespmem:s24], [sflag:$0x1], $0x80, v37, vm0, $0xb8;
	[tilespmem:$0x1B500] =	vst v63  }
0x168: {  	_ = 	snop  }
0x169: {  	[hbm4b:s7+s4] =	stream.indirect_vreg.scatter [tilespmem:s25], [sflag:$0x1], $0x80, v37, vm0, $0xb8;
	[tilespmem:$0x1B500] =	vst v63  }
0x16a: {  	_ = 	snop  }
0x16b: {  	[hbm4b:s3+s4] =	stream.indirect_vreg.scatter [tilespmem:s26], [sflag:$0x1], $0x80, v36, vm0, $0xb8;
	[tilespmem:$0x1B500] =	vst v63  }
0x16c: {  	_ = 	snop  }
0x16d: {  	[hbm4b:s6+s4] =	stream.indirect_vreg.scatter [tilespmem:s28], [sflag:$0x1], $0x80, v36, vm0, $0xb8;
	[tilespmem:$0x1B500] =	vst v63  }
0x16e: {  	_ = 	snop  }
0x16f: {  	[hbm4b:s7+s4] =	stream.indirect_vreg.scatter [tilespmem:s29], [sflag:$0x1], $0x80, v36, vm0, $0xb8;
	[tilespmem:$0x1B500] =	vst v63  }
0x170: {  	v36 =	vld [tilespmem:$0x181B0];
	_ =	sdelay $0x4  }
0x171: {  	v46 =	vshrl.u32 v36, $0x3  }
0x172: {  	v37 =	vmul.u32 $0x30, v46  }
0x173: {  	v36 =	vand.u32 $0x7, v36  }
0x174: {  	v36 =	vor.u32 v36, v37  }
0x175: {  	v37 =	vperm.xlane v36, v33;
	_ =	sdelay $0x1  }
0x176: {  	v37 =	vadd.s32 v34, v37;
	_ =	sdelay $0x3  }
0x177: {  	v36 =	vperm.xlane v36, v35  }
0x178: {  	[hbm4b:s3+s4] =	stream.indirect_vreg.scatter [tilespmem:s30], [sflag:$0x1], $0x80, v37, vm0, $0xb8;
	[tilespmem:$0x1B500] =	vst v63  }
0x179: {  	v36 =	vadd.s32 v34, v36  }
0x17a: {  	[hbm4b:s6+s4] =	stream.indirect_vreg.scatter [tilespmem:s31], [sflag:$0x1], $0x80, v37, vm0, $0xb8;
	[tilespmem:$0x1B500] =	vst v63  }
0x17b: {  	_ = 	snop  }
0x17c: {  	[hbm4b:s7+s4] =	stream.indirect_vreg.scatter [tilespmem:s1], [sflag:$0x1], $0x80, v37, vm0, $0xb8;
	[tilespmem:$0x1B500] =	vst v63  }
0x17d: {  	_ = 	snop  }
0x17e: {  	[hbm4b:s3+s4] =	stream.indirect_vreg.scatter [tilespmem:s0], [sflag:$0x1], $0x80, v36, vm0, $0xb8;
	[tilespmem:$0x1B500] =	vst v63  }
0x17f: {  	_ = 	snop  }
0x180: {  	[hbm4b:s6+s4] =	stream.indirect_vreg.scatter [tilespmem:s2], [sflag:$0x1], $0x80, v36, vm0, $0xb8;
	[tilespmem:$0x1B500] =	vst v63  }
0x181: {  	_ = 	snop  }
0x182: {  	[hbm4b:s7+s4] =	stream.indirect_vreg.scatter [tilespmem:s11], [sflag:$0x1], $0x80, v36, vm0, $0xb8;
	[tilespmem:$0x1B500] =	vst v63  }
0x183: {  	s28 =	rddreg [dreg:$0x8]  }
0x184: {  	[hbm4b:s28+s4] =	stream.linear.scatter [tilespmem:s4], [sflag:$0x1], $0xC000, $0x38;
	[tilespmem:$0x1B500] =	vst v63  }
0x185: {  	_ =	swait.ge [sflag:s10], $0xC000  }
0x186: {  	[sflag:s10] =	ssyncset.done $0x0  }
0x187: {  	[sflag:s10] =	ssyncadd.s32 $0xFFFF4000  }
0x188: {  	v47 =	vld [tilespmem:$0x18200];
	_ =	sdelay $0x4  }
0x189: {  	v48 =	vshrl.u32 v47, $0x3  }
0x18a: {  	v37 =	vmul.u32 $0x30, v48  }
0x18b: {  	v36 =	vand.u32 $0x7, v47  }
0x18c: {  	v36 =	vor.u32 v36, v37  }
0x18d: {  	v37 =	vperm.xlane v36, v33;
	_ =	sdelay $0x1  }
0x18e: {  	v37 =	vadd.s32 v34, v37;
	_ =	sdelay $0x3  }
0x18f: {  	s31 =	simm.s32 $0xC000;
	v36 =	vperm.xlane v36, v35  }
0x190: {  	[hbm4b:s3+s4] =	stream.indirect_vreg.scatter [tilespmem:s31], [sflag:$0x1], $0x80, v37, vm0, $0xb8;
	[tilespmem:$0x1B500] =	vst v63  }
0x191: {  	s0 =	simm.s32 $0xC800;
	v36 =	vadd.s32 v34, v36  }
0x192: {  	[hbm4b:s6+s4] =	stream.indirect_vreg.scatter [tilespmem:s0], [sflag:$0x1], $0x80, v37, vm0, $0xb8;
	[tilespmem:$0x1B500] =	vst v63  }
0x193: {  	s1 =	simm.s32 $0xD000  }
0x194: {  	[hbm4b:s7+s4] =	stream.indirect_vreg.scatter [tilespmem:s1], [sflag:$0x1], $0x80, v37, vm0, $0xb8;
	[tilespmem:$0x1B500] =	vst v63  }
0x195: {  	s2 =	simm.s32 $0xD800  }
0x196: {  	[hbm4b:s3+s4] =	stream.indirect_vreg.scatter [tilespmem:s2], [sflag:$0x1], $0x80, v36, vm0, $0xb8;
	[tilespmem:$0x1B500] =	vst v63  }
0x197: {  	s9 =	simm.s32 $0xE000  }
0x198: {  	[hbm4b:s6+s4] =	stream.indirect_vreg.scatter [tilespmem:s9], [sflag:$0x1], $0x80, v36, vm0, $0xb8;
	[tilespmem:$0x1B500] =	vst v63  }
0x199: {  	s10 =	simm.s32 $0xE800  }
0x19a: {  	[hbm4b:s7+s4] =	stream.indirect_vreg.scatter [tilespmem:s10], [sflag:$0x1], $0x80, v36, vm0, $0xb8;
	[tilespmem:$0x1B500] =	vst v63  }
0x19b: {  	v36 =	vld [tilespmem:$0x18210];
	_ =	sdelay $0x4  }
0x19c: {  	v49 =	vshrl.u32 v36, $0x3  }
0x19d: {  	v37 =	vmul.u32 $0x30, v49  }
0x19e: {  	v36 =	vand.u32 $0x7, v36  }
0x19f: {  	v36 =	vor.u32 v36, v37  }
0x1a0: {  	v37 =	vperm.xlane v36, v33;
	_ =	sdelay $0x1  }
0x1a1: {  	v37 =	vadd.s32 v34, v37;
	_ =	sdelay $0x3  }
0x1a2: {  	s11 =	simm.s32 $0xF000;
	v36 =	vperm.xlane v36, v35  }
0x1a3: {  	[hbm4b:s3+s4] =	stream.indirect_vreg.scatter [tilespmem:s11], [sflag:$0x1], $0x80, v37, vm0, $0xb8;
	[tilespmem:$0x1B500] =	vst v63  }
0x1a4: {  	s13 =	simm.s32 $0xF800;
	v36 =	vadd.s32 v34, v36  }
0x1a5: {  	[hbm4b:s6+s4] =	stream.indirect_vreg.scatter [tilespmem:s13], [sflag:$0x1], $0x80, v37, vm0, $0xb8;
	[tilespmem:$0x1B500] =	vst v63  }
0x1a6: {  	s14 =	simm.s32 $0x10000  }
0x1a7: {  	[hbm4b:s7+s4] =	stream.indirect_vreg.scatter [tilespmem:s14], [sflag:$0x1], $0x80, v37, vm0, $0xb8;
	[tilespmem:$0x1B500] =	vst v63  }
0x1a8: {  	s15 =	simm.s32 $0x10800  }
0x1a9: {  	[hbm4b:s3+s4] =	stream.indirect_vreg.scatter [tilespmem:s15], [sflag:$0x1], $0x80, v36, vm0, $0xb8;
	[tilespmem:$0x1B500] =	vst v63  }
0x1aa: {  	s16 =	simm.s32 $0x11000  }
0x1ab: {  	[hbm4b:s6+s4] =	stream.indirect_vreg.scatter [tilespmem:s16], [sflag:$0x1], $0x80, v36, vm0, $0xb8;
	[tilespmem:$0x1B500] =	vst v63  }
0x1ac: {  	s17 =	simm.s32 $0x11800  }
0x1ad: {  	[hbm4b:s7+s4] =	stream.indirect_vreg.scatter [tilespmem:s17], [sflag:$0x1], $0x80, v36, vm0, $0xb8;
	[tilespmem:$0x1B500] =	vst v63  }
0x1ae: {  	v36 =	vld [tilespmem:$0x18220];
	_ =	sdelay $0x4  }
0x1af: {  	v50 =	vshrl.u32 v36, $0x3  }
0x1b0: {  	v37 =	vmul.u32 $0x30, v50  }
0x1b1: {  	v36 =	vand.u32 $0x7, v36  }
0x1b2: {  	v36 =	vor.u32 v36, v37  }
0x1b3: {  	v37 =	vperm.xlane v36, v33;
	_ =	sdelay $0x1  }
0x1b4: {  	v37 =	vadd.s32 v34, v37;
	_ =	sdelay $0x3  }
0x1b5: {  	s18 =	simm.s32 $0x12000;
	v36 =	vperm.xlane v36, v35  }
0x1b6: {  	[hbm4b:s3+s4] =	stream.indirect_vreg.scatter [tilespmem:s18], [sflag:$0x1], $0x80, v37, vm0, $0xb8;
	[tilespmem:$0x1B500] =	vst v63  }
0x1b7: {  	s19 =	simm.s32 $0x12800;
	v36 =	vadd.s32 v34, v36  }
0x1b8: {  	[hbm4b:s6+s4] =	stream.indirect_vreg.scatter [tilespmem:s19], [sflag:$0x1], $0x80, v37, vm0, $0xb8;
	[tilespmem:$0x1B500] =	vst v63  }
0x1b9: {  	s20 =	simm.s32 $0x13000  }
0x1ba: {  	[hbm4b:s7+s4] =	stream.indirect_vreg.scatter [tilespmem:s20], [sflag:$0x1], $0x80, v37, vm0, $0xb8;
	[tilespmem:$0x1B500] =	vst v63  }
0x1bb: {  	s21 =	simm.s32 $0x13800  }
0x1bc: {  	[hbm4b:s3+s4] =	stream.indirect_vreg.scatter [tilespmem:s21], [sflag:$0x1], $0x80, v36, vm0, $0xb8;
	[tilespmem:$0x1B500] =	vst v63  }
0x1bd: {  	s22 =	simm.s32 $0x14000  }
0x1be: {  	[hbm4b:s6+s4] =	stream.indirect_vreg.scatter [tilespmem:s22], [sflag:$0x1], $0x80, v36, vm0, $0xb8;
	[tilespmem:$0x1B500] =	vst v63  }
0x1bf: {  	s23 =	simm.s32 $0x14800  }
0x1c0: {  	[hbm4b:s7+s4] =	stream.indirect_vreg.scatter [tilespmem:s23], [sflag:$0x1], $0x80, v36, vm0, $0xb8;
	[tilespmem:$0x1B500] =	vst v63  }
0x1c1: {  	v36 =	vld [tilespmem:$0x18230];
	_ =	sdelay $0x4  }
0x1c2: {  	v51 =	vshrl.u32 v36, $0x3  }
0x1c3: {  	v37 =	vmul.u32 $0x30, v51  }
0x1c4: {  	v36 =	vand.u32 $0x7, v36  }
0x1c5: {  	v36 =	vor.u32 v36, v37  }
0x1c6: {  	v37 =	vperm.xlane v36, v33;
	_ =	sdelay $0x1  }
0x1c7: {  	v37 =	vadd.s32 v34, v37;
	_ =	sdelay $0x3  }
0x1c8: {  	s24 =	simm.s32 $0x15000;
	v36 =	vperm.xlane v36, v35  }
0x1c9: {  	[hbm4b:s3+s4] =	stream.indirect_vreg.scatter [tilespmem:s24], [sflag:$0x1], $0x80, v37, vm0, $0xb8;
	[tilespmem:$0x1B500] =	vst v63  }
0x1ca: {  	s25 =	simm.s32 $0x15800;
	v36 =	vadd.s32 v34, v36  }
0x1cb: {  	[hbm4b:s6+s4] =	stream.indirect_vreg.scatter [tilespmem:s25], [sflag:$0x1], $0x80, v37, vm0, $0xb8;
	[tilespmem:$0x1B500] =	vst v63  }
0x1cc: {  	s26 =	simm.s32 $0x16000  }
0x1cd: {  	[hbm4b:s7+s4] =	stream.indirect_vreg.scatter [tilespmem:s26], [sflag:$0x1], $0x80, v37, vm0, $0xb8;
	[tilespmem:$0x1B500] =	vst v63  }
0x1ce: {  	s28 =	simm.s32 $0x16800  }
0x1cf: {  	[hbm4b:s3+s4] =	stream.indirect_vreg.scatter [tilespmem:s28], [sflag:$0x1], $0x80, v36, vm0, $0xb8;
	[tilespmem:$0x1B500] =	vst v63  }
0x1d0: {  	s29 =	simm.s32 $0x17000  }
0x1d1: {  	[hbm4b:s6+s4] =	stream.indirect_vreg.scatter [tilespmem:s29], [sflag:$0x1], $0x80, v36, vm0, $0xb8;
	[tilespmem:$0x1B500] =	vst v63  }
0x1d2: {  	s30 =	simm.s32 $0x17800  }
0x1d3: {  	[hbm4b:s7+s4] =	stream.indirect_vreg.scatter [tilespmem:s30], [sflag:$0x1], $0x80, v36, vm0, $0xb8;
	[tilespmem:$0x1B500] =	vst v63  }
0x1d4: {  	s8 =	rddreg [dreg:$0x9]  }
0x1d5: {  	[hbm4b:s8+s4] =	stream.linear.scatter [tilespmem:s31], [sflag:$0x1], $0xC000, $0x38;
	[tilespmem:$0x1B500] =	vst v63  }
0x1d6: {  	v36 =	vld [tilespmem:$0x18280];
	_ =	sdelay $0x4  }
0x1d7: {  	v52 =	vshrl.u32 v36, $0x3  }
0x1d8: {  	v37 =	vmul.u32 $0x30, v52  }
0x1d9: {  	v36 =	vand.u32 $0x7, v36  }
0x1da: {  	v36 =	vor.u32 v36, v37  }
0x1db: {  	v37 =	vperm.xlane v36, v33;
	_ =	sdelay $0x1  }
0x1dc: {  	v37 =	vadd.s32 v34, v37;
	_ =	sdelay $0x3  }
0x1dd: {  	v36 =	vperm.xlane v36, v35  }
0x1de: {  	[hbm4b:s3+s4] =	stream.indirect_vreg.scatter [tilespmem:s31], [sflag:$0x1], $0x80, v37, vm0, $0xb8;
	[tilespmem:$0x1B500] =	vst v63  }
0x1df: {  	v36 =	vadd.s32 v34, v36  }
0x1e0: {  	[hbm4b:s6+s4] =	stream.indirect_vreg.scatter [tilespmem:s0], [sflag:$0x1], $0x80, v37, vm0, $0xb8;
	[tilespmem:$0x1B500] =	vst v63  }
0x1e1: {  	_ = 	snop  }
0x1e2: {  	[hbm4b:s7+s4] =	stream.indirect_vreg.scatter [tilespmem:s1], [sflag:$0x1], $0x80, v37, vm0, $0xb8;
	[tilespmem:$0x1B500] =	vst v63  }
0x1e3: {  	_ = 	snop  }
0x1e4: {  	[hbm4b:s3+s4] =	stream.indirect_vreg.scatter [tilespmem:s2], [sflag:$0x1], $0x80, v36, vm0, $0xb8;
	[tilespmem:$0x1B500] =	vst v63  }
0x1e5: {  	_ = 	snop  }
0x1e6: {  	[hbm4b:s6+s4] =	stream.indirect_vreg.scatter [tilespmem:s9], [sflag:$0x1], $0x80, v36, vm0, $0xb8;
	[tilespmem:$0x1B500] =	vst v63  }
0x1e7: {  	_ = 	snop  }
0x1e8: {  	[hbm4b:s7+s4] =	stream.indirect_vreg.scatter [tilespmem:s10], [sflag:$0x1], $0x80, v36, vm0, $0xb8;
	[tilespmem:$0x1B500] =	vst v63  }
0x1e9: {  	v36 =	vld [tilespmem:$0x18290];
	_ =	sdelay $0x4  }
0x1ea: {  	v53 =	vshrl.u32 v36, $0x3  }
0x1eb: {  	v37 =	vmul.u32 $0x30, v53  }
0x1ec: {  	v36 =	vand.u32 $0x7, v36  }
0x1ed: {  	v36 =	vor.u32 v36, v37  }
0x1ee: {  	v37 =	vperm.xlane v36, v33;
	_ =	sdelay $0x1  }
0x1ef: {  	v37 =	vadd.s32 v34, v37;
	_ =	sdelay $0x3  }
0x1f0: {  	v36 =	vperm.xlane v36, v35  }
0x1f1: {  	[hbm4b:s3+s4] =	stream.indirect_vreg.scatter [tilespmem:s11], [sflag:$0x1], $0x80, v37, vm0, $0xb8;
	[tilespmem:$0x1B500] =	vst v63  }
0x1f2: {  	v36 =	vadd.s32 v34, v36  }
0x1f3: {  	[hbm4b:s6+s4] =	stream.indirect_vreg.scatter [tilespmem:s13], [sflag:$0x1], $0x80, v37, vm0, $0xb8;
	[tilespmem:$0x1B500] =	vst v63  }
0x1f4: {  	_ = 	snop  }
0x1f5: {  	[hbm4b:s7+s4] =	stream.indirect_vreg.scatter [tilespmem:s14], [sflag:$0x1], $0x80, v37, vm0, $0xb8;
	[tilespmem:$0x1B500] =	vst v63  }
0x1f6: {  	_ = 	snop  }
0x1f7: {  	[hbm4b:s3+s4] =	stream.indirect_vreg.scatter [tilespmem:s15], [sflag:$0x1], $0x80, v36, vm0, $0xb8;
	[tilespmem:$0x1B500] =	vst v63  }
0x1f8: {  	_ = 	snop  }
0x1f9: {  	[hbm4b:s6+s4] =	stream.indirect_vreg.scatter [tilespmem:s16], [sflag:$0x1], $0x80, v36, vm0, $0xb8;
	[tilespmem:$0x1B500] =	vst v63  }
0x1fa: {  	_ = 	snop  }
0x1fb: {  	[hbm4b:s7+s4] =	stream.indirect_vreg.scatter [tilespmem:s17], [sflag:$0x1], $0x80, v36, vm0, $0xb8;
	[tilespmem:$0x1B500] =	vst v63  }
0x1fc: {  	v36 =	vld [tilespmem:$0x182A0];
	_ =	sdelay $0x4  }
0x1fd: {  	v54 =	vshrl.u32 v36, $0x3  }
0x1fe: {  	v37 =	vmul.u32 $0x30, v54  }
0x1ff: {  	v36 =	vand.u32 $0x7, v36  }
0x200: {  	v36 =	vor.u32 v36, v37  }
0x201: {  	v37 =	vperm.xlane v36, v33;
	_ =	sdelay $0x1  }
0x202: {  	v37 =	vadd.s32 v34, v37;
	_ =	sdelay $0x3  }
0x203: {  	v36 =	vperm.xlane v36, v35  }
0x204: {  	[hbm4b:s3+s4] =	stream.indirect_vreg.scatter [tilespmem:s18], [sflag:$0x1], $0x80, v37, vm0, $0xb8;
	[tilespmem:$0x1B500] =	vst v63  }
0x205: {  	v36 =	vadd.s32 v34, v36  }
0x206: {  	[hbm4b:s6+s4] =	stream.indirect_vreg.scatter [tilespmem:s19], [sflag:$0x1], $0x80, v37, vm0, $0xb8;
	[tilespmem:$0x1B500] =	vst v63  }
0x207: {  	_ = 	snop  }
0x208: {  	[hbm4b:s7+s4] =	stream.indirect_vreg.scatter [tilespmem:s20], [sflag:$0x1], $0x80, v37, vm0, $0xb8;
	[tilespmem:$0x1B500] =	vst v63  }
0x209: {  	_ = 	snop  }
0x20a: {  	[hbm4b:s3+s4] =	stream.indirect_vreg.scatter [tilespmem:s21], [sflag:$0x1], $0x80, v36, vm0, $0xb8;
	[tilespmem:$0x1B500] =	vst v63  }
0x20b: {  	_ = 	snop  }
0x20c: {  	[hbm4b:s6+s4] =	stream.indirect_vreg.scatter [tilespmem:s22], [sflag:$0x1], $0x80, v36, vm0, $0xb8;
	[tilespmem:$0x1B500] =	vst v63  }
0x20d: {  	_ = 	snop  }
0x20e: {  	[hbm4b:s7+s4] =	stream.indirect_vreg.scatter [tilespmem:s23], [sflag:$0x1], $0x80, v36, vm0, $0xb8;
	[tilespmem:$0x1B500] =	vst v63  }
0x20f: {  	v36 =	vld [tilespmem:$0x182B0];
	_ =	sdelay $0x4  }
0x210: {  	v55 =	vshrl.u32 v36, $0x3  }
0x211: {  	v37 =	vmul.u32 $0x30, v55  }
0x212: {  	v36 =	vand.u32 $0x7, v36  }
0x213: {  	v36 =	vor.u32 v36, v37  }
0x214: {  	v37 =	vperm.xlane v36, v33;
	_ =	sdelay $0x1  }
0x215: {  	v37 =	vadd.s32 v34, v37;
	_ =	sdelay $0x3  }
0x216: {  	v36 =	vperm.xlane v36, v35  }
0x217: {  	[hbm4b:s3+s4] =	stream.indirect_vreg.scatter [tilespmem:s24], [sflag:$0x1], $0x80, v37, vm0, $0xb8;
	[tilespmem:$0x1B500] =	vst v63  }
0x218: {  	v36 =	vadd.s32 v34, v36  }
0x219: {  	[hbm4b:s6+s4] =	stream.indirect_vreg.scatter [tilespmem:s25], [sflag:$0x1], $0x80, v37, vm0, $0xb8;
	[tilespmem:$0x1B500] =	vst v63  }
0x21a: {  	_ = 	snop  }
0x21b: {  	[hbm4b:s7+s4] =	stream.indirect_vreg.scatter [tilespmem:s26], [sflag:$0x1], $0x80, v37, vm0, $0xb8;
	[tilespmem:$0x1B500] =	vst v63  }
0x21c: {  	_ = 	snop  }
0x21d: {  	[hbm4b:s3+s4] =	stream.indirect_vreg.scatter [tilespmem:s28], [sflag:$0x1], $0x80, v36, vm0, $0xb8;
	[tilespmem:$0x1B500] =	vst v63  }
0x21e: {  	_ = 	snop  }
0x21f: {  	[hbm4b:s6+s4] =	stream.indirect_vreg.scatter [tilespmem:s29], [sflag:$0x1], $0x80, v36, vm0, $0xb8;
	[tilespmem:$0x1B500] =	vst v63  }
0x220: {  	_ = 	snop  }
0x221: {  	[hbm4b:s7+s4] =	stream.indirect_vreg.scatter [tilespmem:s30], [sflag:$0x1], $0x80, v36, vm0, $0xb8;
	[tilespmem:$0x1B500] =	vst v63  }
0x222: {  	s8 =	rddreg [dreg:$0xa];
	s31 =	simm.s32 $0xC000  }
0x223: {  	[hbm4b:s8+s4] =	stream.linear.scatter [tilespmem:s31], [sflag:$0x1], $0xC000, $0x38;
	[tilespmem:$0x1B500] =	vst v63  }
0x224: {  	v36 =	vld [tilespmem:$0x18300];
	_ =	sdelay $0x4  }
0x225: {  	v56 =	vshrl.u32 v36, $0x3  }
0x226: {  	v37 =	vmul.u32 $0x30, v56  }
0x227: {  	v36 =	vand.u32 $0x7, v36  }
0x228: {  	v36 =	vor.u32 v36, v37  }
0x229: {  	v37 =	vperm.xlane v36, v33;
	_ =	sdelay $0x1  }
0x22a: {  	v37 =	vadd.s32 v34, v37;
	_ =	sdelay $0x3  }
0x22b: {  	v36 =	vperm.xlane v36, v35  }
0x22c: {  	[hbm4b:s3+s4] =	stream.indirect_vreg.scatter [tilespmem:s31], [sflag:$0x1], $0x80, v37, vm0, $0xb8;
	[tilespmem:$0x1B500] =	vst v63  }
0x22d: {  	v36 =	vadd.s32 v34, v36  }
0x22e: {  	[hbm4b:s6+s4] =	stream.indirect_vreg.scatter [tilespmem:s0], [sflag:$0x1], $0x80, v37, vm0, $0xb8;
	[tilespmem:$0x1B500] =	vst v63  }
0x22f: {  	_ = 	snop  }
0x230: {  	[hbm4b:s7+s4] =	stream.indirect_vreg.scatter [tilespmem:s1], [sflag:$0x1], $0x80, v37, vm0, $0xb8;
	[tilespmem:$0x1B500] =	vst v63  }
0x231: {  	_ = 	snop  }
0x232: {  	[hbm4b:s3+s4] =	stream.indirect_vreg.scatter [tilespmem:s2], [sflag:$0x1], $0x80, v36, vm0, $0xb8;
	[tilespmem:$0x1B500] =	vst v63  }
0x233: {  	_ = 	snop  }
0x234: {  	[hbm4b:s6+s4] =	stream.indirect_vreg.scatter [tilespmem:s9], [sflag:$0x1], $0x80, v36, vm0, $0xb8;
	[tilespmem:$0x1B500] =	vst v63  }
0x235: {  	_ = 	snop  }
0x236: {  	[hbm4b:s7+s4] =	stream.indirect_vreg.scatter [tilespmem:s10], [sflag:$0x1], $0x80, v36, vm0, $0xb8;
	[tilespmem:$0x1B500] =	vst v63  }
0x237: {  	v36 =	vld [tilespmem:$0x18310];
	_ =	sdelay $0x4  }
0x238: {  	v57 =	vshrl.u32 v36, $0x3  }
0x239: {  	v37 =	vmul.u32 $0x30, v57  }
0x23a: {  	v36 =	vand.u32 $0x7, v36  }
0x23b: {  	v36 =	vor.u32 v36, v37  }
0x23c: {  	v37 =	vperm.xlane v36, v33;
	_ =	sdelay $0x1  }
0x23d: {  	v37 =	vadd.s32 v34, v37;
	_ =	sdelay $0x3  }
0x23e: {  	v36 =	vperm.xlane v36, v35  }
0x23f: {  	[hbm4b:s3+s4] =	stream.indirect_vreg.scatter [tilespmem:s11], [sflag:$0x1], $0x80, v37, vm0, $0xb8;
	[tilespmem:$0x1B500] =	vst v63  }
0x240: {  	v36 =	vadd.s32 v34, v36  }
0x241: {  	[hbm4b:s6+s4] =	stream.indirect_vreg.scatter [tilespmem:s13], [sflag:$0x1], $0x80, v37, vm0, $0xb8;
	[tilespmem:$0x1B500] =	vst v63  }
0x242: {  	_ = 	snop  }
0x243: {  	[hbm4b:s7+s4] =	stream.indirect_vreg.scatter [tilespmem:s14], [sflag:$0x1], $0x80, v37, vm0, $0xb8;
	[tilespmem:$0x1B500] =	vst v63  }
0x244: {  	_ = 	snop  }
0x245: {  	[hbm4b:s3+s4] =	stream.indirect_vreg.scatter [tilespmem:s15], [sflag:$0x1], $0x80, v36, vm0, $0xb8;
	[tilespmem:$0x1B500] =	vst v63  }
0x246: {  	_ = 	snop  }
0x247: {  	[hbm4b:s6+s4] =	stream.indirect_vreg.scatter [tilespmem:s16], [sflag:$0x1], $0x80, v36, vm0, $0xb8;
	[tilespmem:$0x1B500] =	vst v63  }
0x248: {  	_ = 	snop  }
0x249: {  	[hbm4b:s7+s4] =	stream.indirect_vreg.scatter [tilespmem:s17], [sflag:$0x1], $0x80, v36, vm0, $0xb8;
	[tilespmem:$0x1B500] =	vst v63  }
0x24a: {  	v36 =	vld [tilespmem:$0x18320];
	_ =	sdelay $0x4  }
0x24b: {  	v58 =	vshrl.u32 v36, $0x3  }
0x24c: {  	v37 =	vmul.u32 $0x30, v58  }
0x24d: {  	v36 =	vand.u32 $0x7, v36  }
0x24e: {  	v36 =	vor.u32 v36, v37  }
0x24f: {  	v37 =	vperm.xlane v36, v33;
	_ =	sdelay $0x1  }
0x250: {  	v37 =	vadd.s32 v34, v37;
	_ =	sdelay $0x3  }
0x251: {  	v36 =	vperm.xlane v36, v35  }
0x252: {  	[hbm4b:s3+s4] =	stream.indirect_vreg.scatter [tilespmem:s18], [sflag:$0x1], $0x80, v37, vm0, $0xb8;
	[tilespmem:$0x1B500] =	vst v63  }
0x253: {  	v36 =	vadd.s32 v34, v36  }
0x254: {  	[hbm4b:s6+s4] =	stream.indirect_vreg.scatter [tilespmem:s19], [sflag:$0x1], $0x80, v37, vm0, $0xb8;
	[tilespmem:$0x1B500] =	vst v63  }
0x255: {  	_ = 	snop  }
0x256: {  	[hbm4b:s7+s4] =	stream.indirect_vreg.scatter [tilespmem:s20], [sflag:$0x1], $0x80, v37, vm0, $0xb8;
	[tilespmem:$0x1B500] =	vst v63  }
0x257: {  	_ = 	snop  }
0x258: {  	[hbm4b:s3+s4] =	stream.indirect_vreg.scatter [tilespmem:s21], [sflag:$0x1], $0x80, v36, vm0, $0xb8;
	[tilespmem:$0x1B500] =	vst v63  }
0x259: {  	_ = 	snop  }
0x25a: {  	[hbm4b:s6+s4] =	stream.indirect_vreg.scatter [tilespmem:s22], [sflag:$0x1], $0x80, v36, vm0, $0xb8;
	[tilespmem:$0x1B500] =	vst v63  }
0x25b: {  	_ = 	snop  }
0x25c: {  	[hbm4b:s7+s4] =	stream.indirect_vreg.scatter [tilespmem:s23], [sflag:$0x1], $0x80, v36, vm0, $0xb8;
	[tilespmem:$0x1B500] =	vst v63  }
0x25d: {  	v36 =	vld [tilespmem:$0x18330];
	_ =	sdelay $0x4  }
0x25e: {  	v59 =	vshrl.u32 v36, $0x3  }
0x25f: {  	v37 =	vmul.u32 $0x30, v59  }
0x260: {  	v36 =	vand.u32 $0x7, v36  }
0x261: {  	v36 =	vor.u32 v36, v37  }
0x262: {  	v37 =	vperm.xlane v36, v33;
	_ =	sdelay $0x1  }
0x263: {  	v37 =	vadd.s32 v34, v37;
	_ =	sdelay $0x3  }
0x264: {  	v36 =	vperm.xlane v36, v35  }
0x265: {  	[hbm4b:s3+s4] =	stream.indirect_vreg.scatter [tilespmem:s24], [sflag:$0x1], $0x80, v37, vm0, $0xb8;
	[tilespmem:$0x1B500] =	vst v63  }
0x266: {  	v36 =	vadd.s32 v34, v36  }
0x267: {  	[hbm4b:s6+s4] =	stream.indirect_vreg.scatter [tilespmem:s25], [sflag:$0x1], $0x80, v37, vm0, $0xb8;
	[tilespmem:$0x1B500] =	vst v63  }
0x268: {  	_ = 	snop  }
0x269: {  	[hbm4b:s7+s4] =	stream.indirect_vreg.scatter [tilespmem:s26], [sflag:$0x1], $0x80, v37, vm0, $0xb8;
	[tilespmem:$0x1B500] =	vst v63  }
0x26a: {  	_ = 	snop  }
0x26b: {  	[hbm4b:s3+s4] =	stream.indirect_vreg.scatter [tilespmem:s28], [sflag:$0x1], $0x80, v36, vm0, $0xb8;
	[tilespmem:$0x1B500] =	vst v63  }
0x26c: {  	_ = 	snop  }
0x26d: {  	[hbm4b:s6+s4] =	stream.indirect_vreg.scatter [tilespmem:s29], [sflag:$0x1], $0x80, v36, vm0, $0xb8;
	[tilespmem:$0x1B500] =	vst v63  }
0x26e: {  	_ = 	snop  }
0x26f: {  	[hbm4b:s7+s4] =	stream.indirect_vreg.scatter [tilespmem:s30], [sflag:$0x1], $0x80, v36, vm0, $0xb8;
	[tilespmem:$0x1B500] =	vst v63  }
0x270: {  	s8 =	rddreg [dreg:$0xb]  }
0x271: {  	[hbm4b:s8+s4] =	stream.linear.scatter [tilespmem:s31], [sflag:$0x1], $0xC000, $0x38;
	[tilespmem:$0x1B500] =	vst v63  }
0x272: {  	v36 =	vld [tilespmem:$0x18380];
	_ =	sdelay $0x4  }
0x273: {  	v60 =	vshrl.u32 v36, $0x3  }
0x274: {  	v37 =	vmul.u32 $0x30, v60  }
0x275: {  	v36 =	vand.u32 $0x7, v36  }
0x276: {  	v36 =	vor.u32 v36, v37  }
0x277: {  	v37 =	vperm.xlane v36, v33;
	_ =	sdelay $0x1  }
0x278: {  	v37 =	vadd.s32 v34, v37;
	_ =	sdelay $0x3  }
0x279: {  	v36 =	vperm.xlane v36, v35  }
0x27a: {  	[hbm4b:s3+s4] =	stream.indirect_vreg.scatter [tilespmem:s31], [sflag:$0x1], $0x80, v37, vm0, $0xb8;
	[tilespmem:$0x1B500] =	vst v63  }
0x27b: {  	v36 =	vadd.s32 v34, v36  }
0x27c: {  	[hbm4b:s6+s4] =	stream.indirect_vreg.scatter [tilespmem:s0], [sflag:$0x1], $0x80, v37, vm0, $0xb8;
	[tilespmem:$0x1B500] =	vst v63  }
0x27d: {  	_ = 	snop  }
0x27e: {  	[hbm4b:s7+s4] =	stream.indirect_vreg.scatter [tilespmem:s1], [sflag:$0x1], $0x80, v37, vm0, $0xb8;
	[tilespmem:$0x1B500] =	vst v63  }
0x27f: {  	_ = 	snop  }
0x280: {  	[hbm4b:s3+s4] =	stream.indirect_vreg.scatter [tilespmem:s2], [sflag:$0x1], $0x80, v36, vm0, $0xb8;
	[tilespmem:$0x1B500] =	vst v63  }
0x281: {  	_ = 	snop  }
0x282: {  	[hbm4b:s6+s4] =	stream.indirect_vreg.scatter [tilespmem:s9], [sflag:$0x1], $0x80, v36, vm0, $0xb8;
	[tilespmem:$0x1B500] =	vst v63  }
0x283: {  	_ = 	snop  }
0x284: {  	[hbm4b:s7+s4] =	stream.indirect_vreg.scatter [tilespmem:s10], [sflag:$0x1], $0x80, v36, vm0, $0xb8;
	[tilespmem:$0x1B500] =	vst v63  }
0x285: {  	v36 =	vld [tilespmem:$0x18390];
	_ =	sdelay $0x4  }
0x286: {  	v61 =	vshrl.u32 v36, $0x3  }
0x287: {  	v37 =	vmul.u32 $0x30, v61  }
0x288: {  	v36 =	vand.u32 $0x7, v36  }
0x289: {  	v36 =	vor.u32 v36, v37  }
0x28a: {  	v37 =	vperm.xlane v36, v33;
	_ =	sdelay $0x1  }
0x28b: {  	v37 =	vadd.s32 v34, v37;
	_ =	sdelay $0x3  }
0x28c: {  	v36 =	vperm.xlane v36, v35  }
0x28d: {  	[hbm4b:s3+s4] =	stream.indirect_vreg.scatter [tilespmem:s11], [sflag:$0x1], $0x80, v37, vm0, $0xb8;
	[tilespmem:$0x1B500] =	vst v63  }
0x28e: {  	v36 =	vadd.s32 v34, v36  }
0x28f: {  	[hbm4b:s6+s4] =	stream.indirect_vreg.scatter [tilespmem:s13], [sflag:$0x1], $0x80, v37, vm0, $0xb8;
	[tilespmem:$0x1B500] =	vst v63  }
0x290: {  	_ = 	snop  }
0x291: {  	[hbm4b:s7+s4] =	stream.indirect_vreg.scatter [tilespmem:s14], [sflag:$0x1], $0x80, v37, vm0, $0xb8;
	[tilespmem:$0x1B500] =	vst v63  }
0x292: {  	_ = 	snop  }
0x293: {  	[hbm4b:s3+s4] =	stream.indirect_vreg.scatter [tilespmem:s15], [sflag:$0x1], $0x80, v36, vm0, $0xb8;
	[tilespmem:$0x1B500] =	vst v63  }
0x294: {  	_ = 	snop  }
0x295: {  	[hbm4b:s6+s4] =	stream.indirect_vreg.scatter [tilespmem:s16], [sflag:$0x1], $0x80, v36, vm0, $0xb8;
	[tilespmem:$0x1B500] =	vst v63  }
0x296: {  	_ = 	snop  }
0x297: {  	[hbm4b:s7+s4] =	stream.indirect_vreg.scatter [tilespmem:s17], [sflag:$0x1], $0x80, v36, vm0, $0xb8;
	[tilespmem:$0x1B500] =	vst v63  }
0x298: {  	v36 =	vld [tilespmem:$0x183A0];
	_ =	sdelay $0x4  }
0x299: {  	v62 =	vshrl.u32 v36, $0x3  }
0x29a: {  	v37 =	vmul.u32 $0x30, v62  }
0x29b: {  	v36 =	vand.u32 $0x7, v36  }
0x29c: {  	v36 =	vor.u32 v36, v37  }
0x29d: {  	v37 =	vperm.xlane v36, v33;
	_ =	sdelay $0x1  }
0x29e: {  	v37 =	vadd.s32 v34, v37;
	_ =	sdelay $0x3  }
0x29f: {  	v36 =	vperm.xlane v36, v35  }
0x2a0: {  	[hbm4b:s3+s4] =	stream.indirect_vreg.scatter [tilespmem:s18], [sflag:$0x1], $0x80, v37, vm0, $0xb8;
	[tilespmem:$0x1B500] =	vst v63  }
0x2a1: {  	v36 =	vadd.s32 v34, v36  }
0x2a2: {  	[hbm4b:s6+s4] =	stream.indirect_vreg.scatter [tilespmem:s19], [sflag:$0x1], $0x80, v37, vm0, $0xb8;
	[tilespmem:$0x1B500] =	vst v63  }
0x2a3: {  	_ = 	snop  }
0x2a4: {  	[hbm4b:s7+s4] =	stream.indirect_vreg.scatter [tilespmem:s20], [sflag:$0x1], $0x80, v37, vm0, $0xb8;
	[tilespmem:$0x1B500] =	vst v63  }
0x2a5: {  	_ = 	snop  }
0x2a6: {  	[hbm4b:s3+s4] =	stream.indirect_vreg.scatter [tilespmem:s21], [sflag:$0x1], $0x80, v36, vm0, $0xb8;
	[tilespmem:$0x1B500] =	vst v63  }
0x2a7: {  	_ = 	snop  }
0x2a8: {  	[hbm4b:s6+s4] =	stream.indirect_vreg.scatter [tilespmem:s22], [sflag:$0x1], $0x80, v36, vm0, $0xb8;
	[tilespmem:$0x1B500] =	vst v63  }
0x2a9: {  	_ = 	snop  }
0x2aa: {  	[hbm4b:s7+s4] =	stream.indirect_vreg.scatter [tilespmem:s23], [sflag:$0x1], $0x80, v36, vm0, $0xb8;
	[tilespmem:$0x1B500] =	vst v63  }
0x2ab: {  	v36 =	vld [tilespmem:$0x183B0];
	_ =	sdelay $0x4  }
0x2ac: {  	v63 =	vshrl.u32 v36, $0x3  }
0x2ad: {  	v37 =	vmul.u32 $0x30, v63  }
0x2ae: {  	v36 =	vand.u32 $0x7, v36  }
0x2af: {  	v36 =	vor.u32 v36, v37  }
0x2b0: {  	v37 =	vperm.xlane v36, v33;
	_ =	sdelay $0x1  }
0x2b1: {  	v37 =	vadd.s32 v34, v37;
	_ =	sdelay $0x3  }
0x2b2: {  	v36 =	vperm.xlane v36, v35  }
0x2b3: {  	[hbm4b:s3+s4] =	stream.indirect_vreg.scatter [tilespmem:s24], [sflag:$0x1], $0x80, v37, vm0, $0xb8;
	[tilespmem:$0x1B500] =	vst v63  }
0x2b4: {  	v36 =	vadd.s32 v34, v36  }
0x2b5: {  	[hbm4b:s6+s4] =	stream.indirect_vreg.scatter [tilespmem:s25], [sflag:$0x1], $0x80, v37, vm0, $0xb8;
	[tilespmem:$0x1B500] =	vst v63  }
0x2b6: {  	_ = 	snop  }
0x2b7: {  	[hbm4b:s7+s4] =	stream.indirect_vreg.scatter [tilespmem:s26], [sflag:$0x1], $0x80, v37, vm0, $0xb8;
	[tilespmem:$0x1B500] =	vst v63  }
0x2b8: {  	_ = 	snop  }
0x2b9: {  	[hbm4b:s3+s4] =	stream.indirect_vreg.scatter [tilespmem:s28], [sflag:$0x1], $0x80, v36, vm0, $0xb8;
	[tilespmem:$0x1B500] =	vst v63  }
0x2ba: {  	_ = 	snop  }
0x2bb: {  	[hbm4b:s6+s4] =	stream.indirect_vreg.scatter [tilespmem:s29], [sflag:$0x1], $0x80, v36, vm0, $0xb8;
	[tilespmem:$0x1B500] =	vst v63  }
0x2bc: {  	v37 =	vlaneseq.u32 @!p0  }
0x2bd: {  	[hbm4b:s7+s4] =	stream.indirect_vreg.scatter [tilespmem:s30], [sflag:$0x1], $0x80, v36, vm0, $0xb8;
	v36 =	vmul.u32 @!p0 $0xFFFFFFFF, v37;
	[tilespmem:$0x1B500] =	vst v63  }
0x2be: {  	s29 =	rddreg [dreg:$0xc]  }
0x2bf: {  	[hbm4b:s29+s4] =	stream.linear.scatter [tilespmem:s31], [sflag:$0x1], $0xC000, $0x38;
	v36 =	vadd.s32 @!p0 $0x1000, v36;
	[tilespmem:$0x1B500] =	vst v63  }
0x2c0: {  	[tilespmem:$0x1B400] =	vst @!p0 v36  }
0x2c1: {  	v36 =	vld @!p0 [tilespmem:$0x1B400];
	_ =	sdelay $0x4  }
0x2c2: {  	v38 =	vshrl.u32 @!p0 v36, $0x3  }
0x2c3: {  	v38 =	vmul.u32 @!p0 $0x30, v38  }
0x2c4: {  	v36 =	vand.u32 @!p0 $0x7, v36  }
0x2c5: {  	v39 =	vshrl.u32 @!p0 v37, $0x3;
	v36 =	vor.u32 @!p0 v36, v38;
	v38 =	vand.u32 @!p0 $0x7, v37  }
0x2c6: {  	v39 =	vmul.u32 @!p0 $0x8, v39;
	v40 =	vperm.xlane @!p0 v36, v38;
	_ =	sdelay $0x1  }
0x2c7: {  	v40 =	vadd.s32 @!p0 v39, v40;
	_ =	sdelay $0x2  }
0x2c8: {  	v37 =	vor.u32 @!p0 $0x8, v37  }
0x2c9: {  	s8 =	simm.s32 @!p0 $0x0;
	s13 =	simm.s32 @!p0 $0x18400;
	s16 =	rddreg [dreg:$0x0];
	[tilespmem:$0x1B480] =	vst @!p0 v32;
	v36 =	vperm.xlane @!p0 v36, v37  }
0x2ca: {  	[tilespmem:s13], [sflag:$0x2] =	stream.indirect_vreg.gather @!p0 [hbm4b:s16+s8], $0x80, v40, vm1, $0xb8;
	[tilespmem:$0x1B500] =	vst v63  }
0x2cb: {  	s9 =	simm.s32 @!p0 $0x18C00;
	s17 =	rddreg [dreg:$0xd];
	v36 =	vadd.s32 @!p0 v39, v36  }
0x2cc: {  	[tilespmem:s9], [sflag:$0x2] =	stream.indirect_vreg.gather @!p0 [hbm4b:s17+s8], $0x80, v40, vm1, $0xb8;
	[tilespmem:$0x1B500] =	vst v63  }
0x2cd: {  	s14 =	simm.s32 @!p0 $0x19400;
	s18 =	rddreg [dreg:$0xe]  }
0x2ce: {  	[tilespmem:s14], [sflag:$0x2] =	stream.indirect_vreg.gather @!p0 [hbm4b:s18+s8], $0x80, v40, vm1, $0xb8;
	[tilespmem:$0x1B500] =	vst v63  }
0x2cf: {  	s15 =	simm.s32 @!p0 $0x19C00  }
0x2d0: {  	[tilespmem:s15], [sflag:$0x2] =	stream.indirect_vreg.gather @!p0 [hbm4b:s16+s8], $0x80, v36, vm1, $0xb8;
	[tilespmem:$0x1B500] =	vst v63  }
0x2d1: {  	s16 =	simm.s32 @!p0 $0x1A400  }
0x2d2: {  	[tilespmem:s16], [sflag:$0x2] =	stream.indirect_vreg.gather @!p0 [hbm4b:s17+s8], $0x80, v36, vm1, $0xb8;
	[tilespmem:$0x1B500] =	vst v63  }
0x2d3: {  	s17 =	simm.s32 @!p0 $0x1AC00  }
0x2d4: {  	[tilespmem:s17], [sflag:$0x2] =	stream.indirect_vreg.gather @!p0 [hbm4b:s18+s8], $0x80, v36, vm1, $0xb8;
	[tilespmem:$0x1B500] =	vst v63  }
0x2d5: {  	s18 =	simm.s32 @!p0 $0x2  }
0x2d6: {  	_ =	swait.ge @!p0 [sflag:s18], $0x3000  }
0x2d7: {  	[sflag:s18] =	ssyncset.done @!p0 $0x0  }
0x2d8: {  	[sflag:s18] =	ssyncadd.s32 @!p0 $0xFFFFD000  }
0x2d9: {  	v36 =	vld @!p0 [tilespmem:$0x1B480];
	_ =	sdelay $0x4  }
0x2da: {  	v40 =	vshrl.u32 @!p0 v36, $0x3  }
0x2db: {  	v40 =	vmul.u32 @!p0 $0x30, v40  }
0x2dc: {  	v36 =	vand.u32 @!p0 $0x7, v36  }
0x2dd: {  	v36 =	vor.u32 @!p0 v36, v40  }
0x2de: {  	v38 =	vperm.xlane @!p0 v36, v38;
	_ =	sdelay $0x1  }
0x2df: {  	v38 =	vadd.s32 @!p0 v39, v38;
	_ =	sdelay $0x3  }
0x2e0: {  	v36 =	vperm.xlane @!p0 v36, v37  }
0x2e1: {  	[hbm4b:s3+s8] =	stream.indirect_vreg.scatter @!p0 [tilespmem:s13], [sflag:$0x2], $0x80, v38, vm1, $0xb8;
	[tilespmem:$0x1B500] =	vst v63  }
0x2e2: {  	v36 =	vadd.s32 @!p0 v39, v36  }
0x2e3: {  	[hbm4b:s6+s8] =	stream.indirect_vreg.scatter @!p0 [tilespmem:s9], [sflag:$0x2], $0x80, v38, vm1, $0xb8;
	[tilespmem:$0x1B500] =	vst v63  }
0x2e4: {  	_ = 	snop  }
0x2e5: {  	[hbm4b:s7+s8] =	stream.indirect_vreg.scatter @!p0 [tilespmem:s14], [sflag:$0x2], $0x80, v38, vm1, $0xb8;
	[tilespmem:$0x1B500] =	vst v63  }
0x2e6: {  	_ = 	snop  }
0x2e7: {  	[hbm4b:s3+s8] =	stream.indirect_vreg.scatter @!p0 [tilespmem:s15], [sflag:$0x2], $0x80, v36, vm1, $0xb8;
	[tilespmem:$0x1B500] =	vst v63  }
0x2e8: {  	_ = 	snop  }
0x2e9: {  	[hbm4b:s6+s8] =	stream.indirect_vreg.scatter @!p0 [tilespmem:s16], [sflag:$0x2], $0x80, v36, vm1, $0xb8;
	[tilespmem:$0x1B500] =	vst v63  }
0x2ea: {  	_ = 	snop  }
0x2eb: {  	[hbm4b:s7+s8] =	stream.indirect_vreg.scatter @!p0 [tilespmem:s17], [sflag:$0x2], $0x80, v36, vm1, $0xb8;
	[tilespmem:$0x1B500] =	vst v63  }
0x2ec: {  	_ =	swait.ge @!p0 [sflag:s18], $0x3000  }
0x2ed: {  	[sflag:s18] =	ssyncset.done @!p0 $0x0  }
0x2ee: {  	[sflag:s18] =	ssyncadd.s32 @!p0 $0xFFFFD000  }
0x2ef: {  	_ =	swait.ge [sflag:s12], $0xC000  }
0x2f0: {  	[sflag:s12] =	ssyncset.done $0x0  }
0x2f1: {  	[sflag:s12] =	ssyncadd.s32 $0xFFFF4000  }
0x2f2: {  	_ =	swait.ge [sflag:s12], $0xC000  }
0x2f3: {  	[sflag:s12] =	ssyncset.done $0x0  }
0x2f4: {  	[sflag:s12] =	ssyncadd.s32 $0xFFFF4000  }
0x2f5: {  	_ =	swait.ge [sflag:s12], $0xC000  }
0x2f6: {  	[sflag:s12] =	ssyncset.done $0x0  }
0x2f7: {  	[sflag:s12] =	ssyncadd.s32 $0xFFFF4000  }
0x2f8: {  	_ =	swait.ge [sflag:s12], $0xC000  }
0x2f9: {  	[sflag:s12] =	ssyncset.done $0x0  }
0x2fa: {  	[sflag:s12] =	ssyncadd.s32 $0xFFFF4000  }
0x2fb: {  	_ =	swait.ge [sflag:s12], $0xC000  }
0x2fc: {  	[sflag:s12] =	ssyncset.done $0x0  }
0x2fd: {  	[sflag:s12] =	ssyncadd.s32 $0xFFFF4000  }
0x2fe: {  	_ =	swait.ge [sflag:s12], $0xC000  }
0x2ff: {  	[sflag:s12] =	ssyncset.done $0x0  }
0x300: {  	[sflag:s12] =	ssyncadd.s32 $0xFFFF4000  }
0x301: {  	_ =	swait.ge [sflag:s12], $0xC000  }
0x302: {  	[sflag:s12] =	ssyncset.done $0x0  }
0x303: {  	[sflag:s12] =	ssyncadd.s32 $0xFFFF4000  }
0x304: {  	_ =	swait.ge [sflag:s12], $0xC000  }
0x305: {  	[sflag:s12] =	ssyncset.done $0x0  }
0x306: {  	[sflag:s12] =	ssyncadd.s32 $0xFFFF4000  }
0x307: {  	_ =	swait.ge [sflag:s12], $0xC000  }
0x308: {  	[sflag:s12] =	ssyncset.done $0x0  }
0x309: {  	[sflag:s12] =	ssyncadd.s32 $0xFFFF4000  }
0x30a: {  	_ =	swait.ge [sflag:s12], $0xC000  }
0x30b: {  	[sflag:s12] =	ssyncset.done $0x0  }
0x30c: {  	[sflag:s12] =	ssyncadd.s32 $0xFFFF4000  }
0x30d: {  	_ =	swait.ge [sflag:s12], $0xC000  }
0x30e: {  	[sflag:s12] =	ssyncset.done $0x0  }
0x30f: {  	[sflag:s12] =	ssyncadd.s32 $0xFFFF4000  }
0x310: {  	_ =	swait.ge [sflag:s12], $0xC000  }
0x311: {  	[sflag:s12] =	ssyncset.done $0x0  }
0x312: {  	[sflag:s12] =	ssyncadd.s32 $0xFFFF4000  }
0x313: {  	_ =	swait.ge [sflag:s12], $0xC000  }
0x314: {  	[sflag:s12] =	ssyncset.done $0x0  }
0x315: {  	[sflag:s12] =	ssyncadd.s32 $0xFFFF4000  }
0x316: {  	_ =	swait.ge [sflag:s12], $0xC000  }
0x317: {  	[sflag:s12] =	ssyncset.done $0x0  }
0x318: {  	s5 =	sadd.s32 $0xFFFFFFFF, s5;
	[sflag:s12] =	ssyncadd.s32 $0xFFFF4000  }
0x319: {  	p1 =	sne.s32 s5, $0x0;
	_ =	swait.ge [sflag:s12], $0xC000  }
.Ltmp0:
0x31a: {  	[sflag:s12] =	ssyncset.done $0x0;
	(pc) =	sbr.rel @p1 .LBB2_1-.Ltmp0, $4  }
0x31b: {  	[sflag:s12] =	ssyncadd.s32 $0xFFFF4000  }
0x31c: {  	_ =	swait.ge [sflag:s12], $0xC000  }
0x31d: {  	[sflag:s12] =	ssyncset.done $0x0  }
0x31e: {  	[sflag:s12] =	ssyncadd.s32 $0xFFFF4000  }
0x31f: {  	_ =	sfence.sel $0x180000  }
0x320: {  	[bflag:$0x0] =	sbarrier.arrive $0xFFFF  }
0x321: {  	_ =	strace $0x90000047  }
0x322: {  	s0 =	stileid.u32;
	[bflag:$0x2] =	sbarrier.arrive $0xFFFF  }
0x323: {  	p0 =	sne.s32 s0, $0x0;
	s0 =	rddreg [dreg:$0x2]  }
0x324: {  	s0 =	sadd.s32 @!p0 $0x100000, s0  }
0x325: {  	[sflag:s0] =	ssyncadd.tile.s32 @!p0 $0x1;
	_ =	shalt  }
.Lfunc_end2:
_tile_overlayer_lowered:
.L_overlay_start_2:
0x326: {  	(tag) =	ssettag $0x2  }
0x327: {  	s0 =	rddreg [dreg:$0x0];
	s2 =	stileid.u32  }
0x328: {  	s1 =	rddreg [dreg:$0x1];
	p0 =	sne.s32 s2, $0x0  }
0x329: {  	s3 =	rddreg [dreg:$0x2];
	[bflag:$0x3] =	sbarrier.arrive $0xFFFF;
	s2 =	simm.s32 @!p0 $0x1C04  }
0x32a: {  	[timem:s3], [sflag:s2] =	dma.local @!p0 [hbm:s0], s1  }
0x32b: {  	s0 =	simm.s32 @!p0 $0x4  }
0x32c: {  	_ =	swait.ge @!p0 [sflag:s0], s1  }
0x32d: {  	s1 =	ssub.s32 @!p0 $0x0, s1;
	[sflag:s0] =	ssyncset.done @!p0 $0x0  }
0x32e: {  	[sflag:s0] =	ssyncadd.s32 @!p0 s1  }
0x32f: {  	[bflag:$0x3] =	sbarrier.arrive $0xFFFF  }
0x330: {  	_ =	shalt  }

</sc_bundles>
